<compile_context>
chip_gen: v7x
topology: tpu7x:2x2x1
jax: 0.10.2.dev20260603
libtpu: 0.0.44.dev20260713+nightly
codegen_flags: <defaults>
</compile_context>

<pallas_src>
import jax
import jax.numpy as jnp
from jax import lax
from jax.experimental import pallas as pl
from jax.experimental.pallas import tpu as pltpu
from jax.experimental.pallas import tpu_sc as plsc

_BN = 8192
_CP = 16
_NC = 10
_NW = 32
_L = 16


def _tc_body(emb_ref, wt_ref, b_ref, bi_ref, qtot_ref,
             wi_ref, qt_ref, f_ref, acc_ref):
    b = pl.program_id(0)
    nb = pl.num_programs(0)
    nsys = qtot_ref.shape[0]
    bn = emb_ref.shape[0]
    y = lax.dot_general(wt_ref[...], emb_ref[...], (((1,), (1,)), ((), ())),
                        preferred_element_type=jnp.float32)
    y = y + b_ref[...]
    yw = y[:_CP, :]
    wi = jnp.maximum(yw, 0.0) + jnp.log1p(jnp.exp(-jnp.abs(yw)))
    qt = y[_CP:, :]
    wi_ref[...] = wi[:_NC, :]
    qt_ref[...] = qt[:_NC, :]

    sysid = lax.broadcasted_iota(jnp.int32, (nsys, bn), 0)
    masks_t = (bi_ref[...][None, :] == sysid).astype(jnp.float32)
    ywq = jnp.concatenate([wi, qt], axis=0)
    part = lax.dot_general(ywq, masks_t, (((1,), (1,)), ((), ())),
                           preferred_element_type=jnp.float32)

    @pl.when(b == 0)
    def _init():
        acc_ref[...] = part

    @pl.when(b != 0)
    def _accum():
        acc_ref[...] += part

    @pl.when(b == nb - 1)
    def _finish():
        acc = acc_ref[...]
        wtot = acc[:_CP, :]
        qtot = acc[_CP:, :]
        f = (qtot_ref[...][None, :] - qtot) / wtot
        row = lax.broadcasted_iota(jnp.int32, (_CP, nsys), 0)
        f_ref[...] = jnp.where(row < _NC, f, 0.0)


def _sc_body(wi_hbm, qt_hbm, bi_hbm, f_hbm, out_hbm,
             bi_v, wi_v, qt_v, f_v, qo_v, s0, s1, s2, s3):
    apw = wi_v.shape[1]
    wid = lax.axis_index("s") * 2 + lax.axis_index("c")
    base = wid * apw
    c0 = pltpu.async_copy(f_hbm, f_v, s0)
    c1 = pltpu.async_copy(bi_hbm.at[pl.ds(base, apw)], bi_v, s1)
    c2 = pltpu.async_copy(wi_hbm.at[:, pl.ds(base, apw)], wi_v, s2)
    c3 = pltpu.async_copy(qt_hbm.at[:, pl.ds(base, apw)], qt_v, s3)
    c0.wait()
    c1.wait()
    c2.wait()
    c3.wait()

    cvecs = [jnp.full((_L,), c, jnp.int32) for c in range(_NC)]

    @plsc.parallel_loop(0, apw, step=_L, unroll=4)
    def _combine(i):
        sl = pl.ds(i, _L)
        bi_vec = bi_v[sl]
        for c in range(_NC):
            fvals = plsc.load_gather(f_v, [cvecs[c], bi_vec])
            qo_v[c, sl] = qt_v[c, sl] + wi_v[c, sl] * fvals

    pltpu.sync_copy(qo_v, out_hbm.at[:, pl.ds(base, apw)])


def kernel(embedding, coordinates, batch_index, natoms, total_charge,
           W_wi, b_wi, W_qi, b_qi):
    n, d = embedding.shape
    nsys = natoms.shape[0]
    nc = W_wi.shape[1]
    apw = n // _NW

    zw = jnp.zeros((d, _CP - nc), jnp.float32)
    wt = jnp.concatenate([W_wi, zw, W_qi, zw], axis=1).T
    zb = jnp.zeros((_CP - nc,), jnp.float32)
    b_col = jnp.concatenate([b_wi, zb, b_qi, zb])[:, None]

    nb = n // _BN
    wi_t, qt_t, f_t = pl.pallas_call(
        _tc_body,
        grid=(nb,),
        in_specs=[
            pl.BlockSpec((_BN, d), lambda b: (b, 0)),
            pl.BlockSpec((2 * _CP, d), lambda b: (0, 0)),
            pl.BlockSpec((2 * _CP, 1), lambda b: (0, 0)),
            pl.BlockSpec((_BN,), lambda b: (b,)),
            pl.BlockSpec((nsys,), lambda b: (0,)),
        ],
        out_specs=[
            pl.BlockSpec((_NC, _BN), lambda b: (0, b)),
            pl.BlockSpec((_NC, _BN), lambda b: (0, b)),
            pl.BlockSpec((_CP, nsys), lambda b: (0, 0)),
        ],
        out_shape=[
            jax.ShapeDtypeStruct((_NC, n), jnp.float32),
            jax.ShapeDtypeStruct((_NC, n), jnp.float32),
            jax.ShapeDtypeStruct((_CP, nsys), jnp.float32),
        ],
        scratch_shapes=[pltpu.VMEM((2 * _CP, nsys), jnp.float32)],
    )(embedding, wt, b_col, batch_index, total_charge)

    sc_fn = pl.kernel(
        _sc_body,
        out_type=jax.ShapeDtypeStruct((_NC, n), jnp.float32),
        mesh=plsc.VectorSubcoreMesh(core_axis_name="c", subcore_axis_name="s"),
        compiler_params=pltpu.CompilerParams(needs_layout_passes=False),
        scratch_types=[
            pltpu.VMEM((apw,), jnp.int32),
            pltpu.VMEM((_NC, apw), jnp.float32),
            pltpu.VMEM((_NC, apw), jnp.float32),
            pltpu.VMEM((_CP, nsys), jnp.float32),
            pltpu.VMEM((_NC, apw), jnp.float32),
            pltpu.SemaphoreType.DMA,
            pltpu.SemaphoreType.DMA,
            pltpu.SemaphoreType.DMA,
            pltpu.SemaphoreType.DMA,
        ],
    )
    q_t = sc_fn(wi_t, qt_t, batch_index, f_t)
    return q_t.T

# --- scband reference (transcript-rebuilt; emitter-appended) ---
"""Pipeline reference for scband-charge-hypothesis-11364483465760 (READ-ONLY COPY).

The authoritative reference and input builder live on the scoring server;
editing this copy changes nothing except your own understanding.
"""

import jax, jax.numpy as jnp
import numpy as np

N = 32768
D = 256
NSYS = 16
NC = 10

def setup_inputs(seed: int = 0) -> dict:
    key = jax.random.key(seed)
    ks = jax.random.split(key, 8)
    embedding = jax.random.normal(ks[0], (N, D), dtype=jnp.float32)
    coordinates = jax.random.normal(ks[1], (N, 3), dtype=jnp.float32)
    batch_index = jnp.sort(jax.random.randint(ks[2], (N,), 0, NSYS, dtype=jnp.int32))
    natoms = jax.random.randint(ks[3], (NSYS,), 0, 4096, dtype=jnp.int32)
    total_charge = jnp.zeros((NSYS,), dtype=jnp.float32)
    # learned params for the two Dense(ncharges) layers 'wi' and 'qi'
    W_wi = jax.random.normal(ks[4], (D, NC), dtype=jnp.float32) * 0.05
    b_wi = jnp.zeros((NC,), dtype=jnp.float32)
    W_qi = jax.random.normal(ks[5], (D, NC), dtype=jnp.float32) * 0.05
    b_qi = jnp.zeros((NC,), dtype=jnp.float32)
    return {"embedding": embedding, "coordinates": coordinates, "batch_index": batch_index,
            "natoms": natoms, "total_charge": total_charge,
            "W_wi": W_wi, "b_wi": b_wi, "W_qi": W_qi, "b_qi": b_qi}

def reference(embedding, coordinates, batch_index, natoms, total_charge, W_wi, b_wi, W_qi, b_qi):
    nsys = natoms.shape[0]
    emb = embedding.astype(coordinates.dtype)
    wi = jax.nn.softplus(emb @ W_wi + b_wi)
    wtot = jax.ops.segment_sum(wi, batch_index, num_segments=nsys)
    Qtot = total_charge.astype(wi.dtype)
    qtilde = emb @ W_qi + b_qi
    qtot = jax.ops.segment_sum(qtilde, batch_index, num_segments=nsys)
    dq = Qtot[:, None] - qtot
    f = (dq / wtot)[batch_index]
    q = qtilde + wi * f
    # squeeze=True but ncharges=10 != 1, so no squeeze
    return q

if __name__ == "__main__":
    import jax
    _d = setup_inputs()
    print(jax.jit(kernel)(*tuple(_d.values())))

</pallas_src>

<mosaic_0001>
#map = affine_map<(d0, d1) -> (0, 0)>
#map1 = affine_map<(d0, d1) -> (0)>
module attributes {stable_mosaic.version = 14 : i64} {
  func.func @_sc_body(%arg0: i32, %arg1: i32, %arg2: memref<10x32768xf32, #tpu.memory_space<hbm>>, %arg3: memref<10x32768xf32, #tpu.memory_space<hbm>>, %arg4: memref<32768xi32, #tpu.memory_space<hbm>>, %arg5: memref<16x16xf32, #tpu.memory_space<hbm>>, %arg6: memref<10x32768xf32, #tpu.memory_space<hbm>>, %arg7: memref<1024xi32, #tpu.memory_space<vmem>>, %arg8: memref<10x1024xf32, #tpu.memory_space<vmem>>, %arg9: memref<10x1024xf32, #tpu.memory_space<vmem>>, %arg10: memref<16x16xf32, #tpu.memory_space<vmem>>, %arg11: memref<10x1024xf32, #tpu.memory_space<vmem>>, %arg12: memref<!tpu.dma_semaphore, #tpu.memory_space<semaphore_mem>>, %arg13: memref<!tpu.dma_semaphore, #tpu.memory_space<semaphore_mem>>, %arg14: memref<!tpu.dma_semaphore, #tpu.memory_space<semaphore_mem>>, %arg15: memref<!tpu.dma_semaphore, #tpu.memory_space<semaphore_mem>>) attributes {dimension_semantics = [#tpu.dimension_semantics<core_parallel>, #tpu.dimension_semantics<subcore_parallel>], iteration_bounds = array<i64: 2, 16>, scalar_prefetch = 0 : i64, scratch_operands = 9 : i64, tpu.core_type = #tpu.core_type<sc_vector_subcore>, window_params = [{transform_indices = #map}, {transform_indices = #map}, {transform_indices = #map1}, {transform_indices = #map}, {transform_indices = #map}]} {
    %mul3A = arith.constant 2 : i32
    %mul3A_0 = arith.muli %arg1, %mul3A : i32
    %add3A = arith.addi %mul3A_0, %arg0 : i32
    %mul3A_1 = arith.constant 1024 : i32
    %mul3A_2 = arith.muli %add3A, %mul3A_1 : i32
    tpu.enqueue_dma source(%arg5 : memref<16x16xf32, #tpu.memory_space<hbm>>) target(%arg10 : memref<16x16xf32, #tpu.memory_space<vmem>>) target_semaphore(%arg12 : memref<!tpu.dma_semaphore, #tpu.memory_space<semaphore_mem>>)
    %dma_start3A = tpu.memref_slice %arg4[%mul3A_2] : memref<32768xi32, #tpu.memory_space<hbm>> -> memref<1024xi32, #tpu.memory_space<hbm>>
    %dma_start3A_3 = tpu.memref_slice %arg4[%mul3A_2] : memref<32768xi32, #tpu.memory_space<hbm>> -> memref<1024xi32, #tpu.memory_space<hbm>>
    tpu.enqueue_dma source(%dma_start3A_3 : memref<1024xi32, #tpu.memory_space<hbm>>) target(%arg7 : memref<1024xi32, #tpu.memory_space<vmem>>) target_semaphore(%arg13 : memref<!tpu.dma_semaphore, #tpu.memory_space<semaphore_mem>>)
    %dma_start3A_4 = arith.constant 0 : i32
    %dma_start3A_5 = tpu.memref_slice %arg2[%dma_start3A_4, %mul3A_2] : memref<10x32768xf32, #tpu.memory_space<hbm>> -> memref<10x1024xf32, #tpu.memory_space<hbm>>
    %dma_start3A_6 = arith.constant 0 : i32
    %dma_start3A_7 = tpu.memref_slice %arg2[%dma_start3A_6, %mul3A_2] : memref<10x32768xf32, #tpu.memory_space<hbm>> -> memref<10x1024xf32, #tpu.memory_space<hbm>>
    tpu.enqueue_dma source(%dma_start3A_7 : memref<10x1024xf32, #tpu.memory_space<hbm>>) target(%arg8 : memref<10x1024xf32, #tpu.memory_space<vmem>>) target_semaphore(%arg14 : memref<!tpu.dma_semaphore, #tpu.memory_space<semaphore_mem>>)
    %dma_start3A_8 = arith.constant 0 : i32
    %dma_start3A_9 = tpu.memref_slice %arg3[%dma_start3A_8, %mul3A_2] : memref<10x32768xf32, #tpu.memory_space<hbm>> -> memref<10x1024xf32, #tpu.memory_space<hbm>>
    %dma_start3A_10 = arith.constant 0 : i32
    %dma_start3A_11 = tpu.memref_slice %arg3[%dma_start3A_10, %mul3A_2] : memref<10x32768xf32, #tpu.memory_space<hbm>> -> memref<10x1024xf32, #tpu.memory_space<hbm>>
    tpu.enqueue_dma source(%dma_start3A_11 : memref<10x1024xf32, #tpu.memory_space<hbm>>) target(%arg9 : memref<10x1024xf32, #tpu.memory_space<vmem>>) target_semaphore(%arg15 : memref<!tpu.dma_semaphore, #tpu.memory_space<semaphore_mem>>)
    tpu.wait_dma2 semaphore(%arg12 : memref<!tpu.dma_semaphore, #tpu.memory_space<semaphore_mem>>) src(%arg5 : memref<16x16xf32, #tpu.memory_space<hbm>>) dst(%arg10 : memref<16x16xf32, #tpu.memory_space<vmem>>)
    %dma_wait3A = tpu.memref_slice %arg4[%mul3A_2] : memref<32768xi32, #tpu.memory_space<hbm>> -> memref<1024xi32, #tpu.memory_space<hbm>>
    %dma_wait3A_12 = tpu.memref_slice %arg4[%mul3A_2] : memref<32768xi32, #tpu.memory_space<hbm>> -> memref<1024xi32, #tpu.memory_space<hbm>>
    tpu.wait_dma2 semaphore(%arg13 : memref<!tpu.dma_semaphore, #tpu.memory_space<semaphore_mem>>) src(%dma_wait3A_12 : memref<1024xi32, #tpu.memory_space<hbm>>) dst(%arg7 : memref<1024xi32, #tpu.memory_space<vmem>>)
    %dma_wait3A_13 = arith.constant 0 : i32
    %dma_wait3A_14 = tpu.memref_slice %arg2[%dma_wait3A_13, %mul3A_2] : memref<10x32768xf32, #tpu.memory_space<hbm>> -> memref<10x1024xf32, #tpu.memory_space<hbm>>
    %dma_wait3A_15 = arith.constant 0 : i32
    %dma_wait3A_16 = tpu.memref_slice %arg2[%dma_wait3A_15, %mul3A_2] : memref<10x32768xf32, #tpu.memory_space<hbm>> -> memref<10x1024xf32, #tpu.memory_space<hbm>>
    tpu.wait_dma2 semaphore(%arg14 : memref<!tpu.dma_semaphore, #tpu.memory_space<semaphore_mem>>) src(%dma_wait3A_16 : memref<10x1024xf32, #tpu.memory_space<hbm>>) dst(%arg8 : memref<10x1024xf32, #tpu.memory_space<vmem>>)
    %dma_wait3A_17 = arith.constant 0 : i32
    %dma_wait3A_18 = tpu.memref_slice %arg3[%dma_wait3A_17, %mul3A_2] : memref<10x32768xf32, #tpu.memory_space<hbm>> -> memref<10x1024xf32, #tpu.memory_space<hbm>>
    %dma_wait3A_19 = arith.constant 0 : i32
    %dma_wait3A_20 = tpu.memref_slice %arg3[%dma_wait3A_19, %mul3A_2] : memref<10x32768xf32, #tpu.memory_space<hbm>> -> memref<10x1024xf32, #tpu.memory_space<hbm>>
    tpu.wait_dma2 semaphore(%arg15 : memref<!tpu.dma_semaphore, #tpu.memory_space<semaphore_mem>>) src(%dma_wait3A_20 : memref<10x1024xf32, #tpu.memory_space<hbm>>) dst(%arg9 : memref<10x1024xf32, #tpu.memory_space<vmem>>)
    %broadcast_in_dim3A = arith.constant 0 : i32
    %broadcast_in_dim3A_21 = vector.broadcast %broadcast_in_dim3A : i32 to vector<16xi32>
    %broadcast_in_dim3A_22 = arith.constant 1 : i32
    %broadcast_in_dim3A_23 = vector.broadcast %broadcast_in_dim3A_22 : i32 to vector<16xi32>
    %broadcast_in_dim3A_24 = arith.constant 2 : i32
    %broadcast_in_dim3A_25 = vector.broadcast %broadcast_in_dim3A_24 : i32 to vector<16xi32>
    %broadcast_in_dim3A_26 = arith.constant 3 : i32
    %broadcast_in_dim3A_27 = vector.broadcast %broadcast_in_dim3A_26 : i32 to vector<16xi32>
    %broadcast_in_dim3A_28 = arith.constant 4 : i32
    %broadcast_in_dim3A_29 = vector.broadcast %broadcast_in_dim3A_28 : i32 to vector<16xi32>
    %broadcast_in_dim3A_30 = arith.constant 5 : i32
    %broadcast_in_dim3A_31 = vector.broadcast %broadcast_in_dim3A_30 : i32 to vector<16xi32>
    %broadcast_in_dim3A_32 = arith.constant 6 : i32
    %broadcast_in_dim3A_33 = vector.broadcast %broadcast_in_dim3A_32 : i32 to vector<16xi32>
    %broadcast_in_dim3A_34 = arith.constant 7 : i32
    %broadcast_in_dim3A_35 = vector.broadcast %broadcast_in_dim3A_34 : i32 to vector<16xi32>
    %broadcast_in_dim3A_36 = arith.constant 8 : i32
    %broadcast_in_dim3A_37 = vector.broadcast %broadcast_in_dim3A_36 : i32 to vector<16xi32>
    %broadcast_in_dim3A_38 = arith.constant 9 : i32
    %broadcast_in_dim3A_39 = vector.broadcast %broadcast_in_dim3A_38 : i32 to vector<16xi32>
    %parallel_loop3A = arith.constant 0 : i32
    %parallel_loop3A_40 = arith.constant 1024 : i32
    %parallel_loop3A_41 = arith.constant 16 : i32
    scf.for %parallel_loop3A_42 = %parallel_loop3A to %parallel_loop3A_40 step %parallel_loop3A_41  : i32 {
      %parallel_loop3A_43 = arith.index_cast %parallel_loop3A_42 : i32 to index
      %parallel_loop3A_44 = tpu.vector_load %arg7[%parallel_loop3A_43] {strides = array<i32>} : memref<1024xi32, #tpu.memory_space<vmem>>, vector<16xi32>,
      %parallel_loop3A_45 = tpu.vector_load_idx %arg10[%broadcast_in_dim3A_21, %parallel_loop3A_44] : memref<16x16xf32, #tpu.memory_space<vmem>>[vector<16xi32>, vector<16xi32>], vector<16xf32>,
      %parallel_loop3A_46 = arith.constant 0 : i32
      %parallel_loop3A_47 = arith.index_cast %parallel_loop3A_46 : i32 to index
      %parallel_loop3A_48 = arith.index_cast %parallel_loop3A_42 : i32 to index
      %parallel_loop3A_49 = tpu.vector_load %arg9[%parallel_loop3A_47, %parallel_loop3A_48] {strides = array<i32>} : memref<10x1024xf32, #tpu.memory_space<vmem>>, vector<16xf32>,
      %parallel_loop3A_50 = arith.constant 0 : i32
      %parallel_loop3A_51 = arith.index_cast %parallel_loop3A_50 : i32 to index
      %parallel_loop3A_52 = arith.index_cast %parallel_loop3A_42 : i32 to index
      %parallel_loop3A_53 = tpu.vector_load %arg8[%parallel_loop3A_51, %parallel_loop3A_52] {strides = array<i32>} : memref<10x1024xf32, #tpu.memory_space<vmem>>, vector<16xf32>,
      %parallel_loop3A_54 = arith.mulf %parallel_loop3A_53, %parallel_loop3A_45 : vector<16xf32>
      %parallel_loop3A_55 = arith.addf %parallel_loop3A_49, %parallel_loop3A_54 : vector<16xf32>
      %parallel_loop3A_56 = arith.constant 0 : i32
      %parallel_loop3A_57 = arith.index_cast %parallel_loop3A_56 : i32 to index
      %parallel_loop3A_58 = arith.index_cast %parallel_loop3A_42 : i32 to index
      %parallel_loop3A_59 = tpu.vector_load %arg11[%parallel_loop3A_57, %parallel_loop3A_58] {strides = array<i32>} : memref<10x1024xf32, #tpu.memory_space<vmem>>, vector<16xf32>,
      tpu.vector_store %arg11[%parallel_loop3A_57, %parallel_loop3A_58], %parallel_loop3A_55 {strides = array<i32>} : memref<10x1024xf32, #tpu.memory_space<vmem>>, vector<16xf32>,
      %parallel_loop3A_60 = tpu.vector_load_idx %arg10[%broadcast_in_dim3A_23, %parallel_loop3A_44] : memref<16x16xf32, #tpu.memory_space<vmem>>[vector<16xi32>, vector<16xi32>], vector<16xf32>,
      %parallel_loop3A_61 = arith.constant 1 : i32
      %parallel_loop3A_62 = arith.index_cast %parallel_loop3A_61 : i32 to index
      %parallel_loop3A_63 = arith.index_cast %parallel_loop3A_42 : i32 to index
      %parallel_loop3A_64 = tpu.vector_load %arg9[%parallel_loop3A_62, %parallel_loop3A_63] {strides = array<i32>} : memref<10x1024xf32, #tpu.memory_space<vmem>>, vector<16xf32>,
      %parallel_loop3A_65 = arith.constant 1 : i32
      %parallel_loop3A_66 = arith.index_cast %parallel_loop3A_65 : i32 to index
      %parallel_loop3A_67 = arith.index_cast %parallel_loop3A_42 : i32 to index
      %parallel_loop3A_68 = tpu.vector_load %arg8[%parallel_loop3A_66, %parallel_loop3A_67] {strides = array<i32>} : memref<10x1024xf32, #tpu.memory_space<vmem>>, vector<16xf32>,
      %parallel_loop3A_69 = arith.mulf %parallel_loop3A_68, %parallel_loop3A_60 : vector<16xf32>
      %parallel_loop3A_70 = arith.addf %parallel_loop3A_64, %parallel_loop3A_69 : vector<16xf32>
      %parallel_loop3A_71 = arith.constant 1 : i32
      %parallel_loop3A_72 = arith.index_cast %parallel_loop3A_71 : i32 to index
      %parallel_loop3A_73 = arith.index_cast %parallel_loop3A_42 : i32 to index
      %parallel_loop3A_74 = tpu.vector_load %arg11[%parallel_loop3A_72, %parallel_loop3A_73] {strides = array<i32>} : memref<10x1024xf32, #tpu.memory_space<vmem>>, vector<16xf32>,
      tpu.vector_store %arg11[%parallel_loop3A_72, %parallel_loop3A_73], %parallel_loop3A_70 {strides = array<i32>} : memref<10x1024xf32, #tpu.memory_space<vmem>>, vector<16xf32>,
      %parallel_loop3A_75 = tpu.vector_load_idx %arg10[%broadcast_in_dim3A_25, %parallel_loop3A_44] : memref<16x16xf32, #tpu.memory_space<vmem>>[vector<16xi32>, vector<16xi32>], vector<16xf32>,
      %parallel_loop3A_76 = arith.constant 2 : i32
      %parallel_loop3A_77 = arith.index_cast %parallel_loop3A_76 : i32 to index
      %parallel_loop3A_78 = arith.index_cast %parallel_loop3A_42 : i32 to index
      %parallel_loop3A_79 = tpu.vector_load %arg9[%parallel_loop3A_77, %parallel_loop3A_78] {strides = array<i32>} : memref<10x1024xf32, #tpu.memory_space<vmem>>, vector<16xf32>,
      %parallel_loop3A_80 = arith.constant 2 : i32
      %parallel_loop3A_81 = arith.index_cast %parallel_loop3A_80 : i32 to index
      %parallel_loop3A_82 = arith.index_cast %parallel_loop3A_42 : i32 to index
      %parallel_loop3A_83 = tpu.vector_load %arg8[%parallel_loop3A_81, %parallel_loop3A_82] {strides = array<i32>} : memref<10x1024xf32, #tpu.memory_space<vmem>>, vector<16xf32>,
      %parallel_loop3A_84 = arith.mulf %parallel_loop3A_83, %parallel_loop3A_75 : vector<16xf32>
      %parallel_loop3A_85 = arith.addf %parallel_loop3A_79, %parallel_loop3A_84 : vector<16xf32>
      %parallel_loop3A_86 = arith.constant 2 : i32
      %parallel_loop3A_87 = arith.index_cast %parallel_loop3A_86 : i32 to index
      %parallel_loop3A_88 = arith.index_cast %parallel_loop3A_42 : i32 to index
      %parallel_loop3A_89 = tpu.vector_load %arg11[%parallel_loop3A_87, %parallel_loop3A_88] {strides = array<i32>} : memref<10x1024xf32, #tpu.memory_space<vmem>>, vector<16xf32>,
      tpu.vector_store %arg11[%parallel_loop3A_87, %parallel_loop3A_88], %parallel_loop3A_85 {strides = array<i32>} : memref<10x1024xf32, #tpu.memory_space<vmem>>, vector<16xf32>,
      %parallel_loop3A_90 = tpu.vector_load_idx %arg10[%broadcast_in_dim3A_27, %parallel_loop3A_44] : memref<16x16xf32, #tpu.memory_space<vmem>>[vector<16xi32>, vector<16xi32>], vector<16xf32>,
      %parallel_loop3A_91 = arith.constant 3 : i32
      %parallel_loop3A_92 = arith.index_cast %parallel_loop3A_91 : i32 to index
      %parallel_loop3A_93 = arith.index_cast %parallel_loop3A_42 : i32 to index
      %parallel_loop3A_94 = tpu.vector_load %arg9[%parallel_loop3A_92, %parallel_loop3A_93] {strides = array<i32>} : memref<10x1024xf32, #tpu.memory_space<vmem>>, vector<16xf32>,
      %parallel_loop3A_95 = arith.constant 3 : i32
      %parallel_loop3A_96 = arith.index_cast %parallel_loop3A_95 : i32 to index
      %parallel_loop3A_97 = arith.index_cast %parallel_loop3A_42 : i32 to index
      %parallel_loop3A_98 = tpu.vector_load %arg8[%parallel_loop3A_96, %parallel_loop3A_97] {strides = array<i32>} : memref<10x1024xf32, #tpu.memory_space<vmem>>, vector<16xf32>,
      %parallel_loop3A_99 = arith.mulf %parallel_loop3A_98, %parallel_loop3A_90 : vector<16xf32>
      %parallel_loop3A_100 = arith.addf %parallel_loop3A_94, %parallel_loop3A_99 : vector<16xf32>
      %parallel_loop3A_101 = arith.constant 3 : i32
      %parallel_loop3A_102 = arith.index_cast %parallel_loop3A_101 : i32 to index
      %parallel_loop3A_103 = arith.index_cast %parallel_loop3A_42 : i32 to index
      %parallel_loop3A_104 = tpu.vector_load %arg11[%parallel_loop3A_102, %parallel_loop3A_103] {strides = array<i32>} : memref<10x1024xf32, #tpu.memory_space<vmem>>, vector<16xf32>,
      tpu.vector_store %arg11[%parallel_loop3A_102, %parallel_loop3A_103], %parallel_loop3A_100 {strides = array<i32>} : memref<10x1024xf32, #tpu.memory_space<vmem>>, vector<16xf32>,
      %parallel_loop3A_105 = tpu.vector_load_idx %arg10[%broadcast_in_dim3A_29, %parallel_loop3A_44] : memref<16x16xf32, #tpu.memory_space<vmem>>[vector<16xi32>, vector<16xi32>], vector<16xf32>,
      %parallel_loop3A_106 = arith.constant 4 : i32
      %parallel_loop3A_107 = arith.index_cast %parallel_loop3A_106 : i32 to index
      %parallel_loop3A_108 = arith.index_cast %parallel_loop3A_42 : i32 to index
      %parallel_loop3A_109 = tpu.vector_load %arg9[%parallel_loop3A_107, %parallel_loop3A_108] {strides = array<i32>} : memref<10x1024xf32, #tpu.memory_space<vmem>>, vector<16xf32>,
      %parallel_loop3A_110 = arith.constant 4 : i32
      %parallel_loop3A_111 = arith.index_cast %parallel_loop3A_110 : i32 to index
      %parallel_loop3A_112 = arith.index_cast %parallel_loop3A_42 : i32 to index
      %parallel_loop3A_113 = tpu.vector_load %arg8[%parallel_loop3A_111, %parallel_loop3A_112] {strides = array<i32>} : memref<10x1024xf32, #tpu.memory_space<vmem>>, vector<16xf32>,
      %parallel_loop3A_114 = arith.mulf %parallel_loop3A_113, %parallel_loop3A_105 : vector<16xf32>
      %parallel_loop3A_115 = arith.addf %parallel_loop3A_109, %parallel_loop3A_114 : vector<16xf32>
      %parallel_loop3A_116 = arith.constant 4 : i32
      %parallel_loop3A_117 = arith.index_cast %parallel_loop3A_116 : i32 to index
      %parallel_loop3A_118 = arith.index_cast %parallel_loop3A_42 : i32 to index
      %parallel_loop3A_119 = tpu.vector_load %arg11[%parallel_loop3A_117, %parallel_loop3A_118] {strides = array<i32>} : memref<10x1024xf32, #tpu.memory_space<vmem>>, vector<16xf32>,
      tpu.vector_store %arg11[%parallel_loop3A_117, %parallel_loop3A_118], %parallel_loop3A_115 {strides = array<i32>} : memref<10x1024xf32, #tpu.memory_space<vmem>>, vector<16xf32>,
      %parallel_loop3A_120 = tpu.vector_load_idx %arg10[%broadcast_in_dim3A_31, %parallel_loop3A_44] : memref<16x16xf32, #tpu.memory_space<vmem>>[vector<16xi32>, vector<16xi32>], vector<16xf32>,
      %parallel_loop3A_121 = arith.constant 5 : i32
      %parallel_loop3A_122 = arith.index_cast %parallel_loop3A_121 : i32 to index
      %parallel_loop3A_123 = arith.index_cast %parallel_loop3A_42 : i32 to index
      %parallel_loop3A_124 = tpu.vector_load %arg9[%parallel_loop3A_122, %parallel_loop3A_123] {strides = array<i32>} : memref<10x1024xf32, #tpu.memory_space<vmem>>, vector<16xf32>,
      %parallel_loop3A_125 = arith.constant 5 : i32
      %parallel_loop3A_126 = arith.index_cast %parallel_loop3A_125 : i32 to index
      %parallel_loop3A_127 = arith.index_cast %parallel_loop3A_42 : i32 to index
      %parallel_loop3A_128 = tpu.vector_load %arg8[%parallel_loop3A_126, %parallel_loop3A_127] {strides = array<i32>} : memref<10x1024xf32, #tpu.memory_space<vmem>>, vector<16xf32>,
      %parallel_loop3A_129 = arith.mulf %parallel_loop3A_128, %parallel_loop3A_120 : vector<16xf32>
      %parallel_loop3A_130 = arith.addf %parallel_loop3A_124, %parallel_loop3A_129 : vector<16xf32>
      %parallel_loop3A_131 = arith.constant 5 : i32
      %parallel_loop3A_132 = arith.index_cast %parallel_loop3A_131 : i32 to index
      %parallel_loop3A_133 = arith.index_cast %parallel_loop3A_42 : i32 to index
      %parallel_loop3A_134 = tpu.vector_load %arg11[%parallel_loop3A_132, %parallel_loop3A_133] {strides = array<i32>} : memref<10x1024xf32, #tpu.memory_space<vmem>>, vector<16xf32>,
      tpu.vector_store %arg11[%parallel_loop3A_132, %parallel_loop3A_133], %parallel_loop3A_130 {strides = array<i32>} : memref<10x1024xf32, #tpu.memory_space<vmem>>, vector<16xf32>,
      %parallel_loop3A_135 = tpu.vector_load_idx %arg10[%broadcast_in_dim3A_33, %parallel_loop3A_44] : memref<16x16xf32, #tpu.memory_space<vmem>>[vector<16xi32>, vector<16xi32>], vector<16xf32>,
      %parallel_loop3A_136 = arith.constant 6 : i32
      %parallel_loop3A_137 = arith.index_cast %parallel_loop3A_136 : i32 to index
      %parallel_loop3A_138 = arith.index_cast %parallel_loop3A_42 : i32 to index
      %parallel_loop3A_139 = tpu.vector_load %arg9[%parallel_loop3A_137, %parallel_loop3A_138] {strides = array<i32>} : memref<10x1024xf32, #tpu.memory_space<vmem>>, vector<16xf32>,
      %parallel_loop3A_140 = arith.constant 6 : i32
      %parallel_loop3A_141 = arith.index_cast %parallel_loop3A_140 : i32 to index
      %parallel_loop3A_142 = arith.index_cast %parallel_loop3A_42 : i32 to index
      %parallel_loop3A_143 = tpu.vector_load %arg8[%parallel_loop3A_141, %parallel_loop3A_142] {strides = array<i32>} : memref<10x1024xf32, #tpu.memory_space<vmem>>, vector<16xf32>,
      %parallel_loop3A_144 = arith.mulf %parallel_loop3A_143, %parallel_loop3A_135 : vector<16xf32>
      %parallel_loop3A_145 = arith.addf %parallel_loop3A_139, %parallel_loop3A_144 : vector<16xf32>
      %parallel_loop3A_146 = arith.constant 6 : i32
      %parallel_loop3A_147 = arith.index_cast %parallel_loop3A_146 : i32 to index
      %parallel_loop3A_148 = arith.index_cast %parallel_loop3A_42 : i32 to index
      %parallel_loop3A_149 = tpu.vector_load %arg11[%parallel_loop3A_147, %parallel_loop3A_148] {strides = array<i32>} : memref<10x1024xf32, #tpu.memory_space<vmem>>, vector<16xf32>,
      tpu.vector_store %arg11[%parallel_loop3A_147, %parallel_loop3A_148], %parallel_loop3A_145 {strides = array<i32>} : memref<10x1024xf32, #tpu.memory_space<vmem>>, vector<16xf32>,
      %parallel_loop3A_150 = tpu.vector_load_idx %arg10[%broadcast_in_dim3A_35, %parallel_loop3A_44] : memref<16x16xf32, #tpu.memory_space<vmem>>[vector<16xi32>, vector<16xi32>], vector<16xf32>,
      %parallel_loop3A_151 = arith.constant 7 : i32
      %parallel_loop3A_152 = arith.index_cast %parallel_loop3A_151 : i32 to index
      %parallel_loop3A_153 = arith.index_cast %parallel_loop3A_42 : i32 to index
      %parallel_loop3A_154 = tpu.vector_load %arg9[%parallel_loop3A_152, %parallel_loop3A_153] {strides = array<i32>} : memref<10x1024xf32, #tpu.memory_space<vmem>>, vector<16xf32>,
      %parallel_loop3A_155 = arith.constant 7 : i32
      %parallel_loop3A_156 = arith.index_cast %parallel_loop3A_155 : i32 to index
      %parallel_loop3A_157 = arith.index_cast %parallel_loop3A_42 : i32 to index
      %parallel_loop3A_158 = tpu.vector_load %arg8[%parallel_loop3A_156, %parallel_loop3A_157] {strides = array<i32>} : memref<10x1024xf32, #tpu.memory_space<vmem>>, vector<16xf32>,
      %parallel_loop3A_159 = arith.mulf %parallel_loop3A_158, %parallel_loop3A_150 : vector<16xf32>
      %parallel_loop3A_160 = arith.addf %parallel_loop3A_154, %parallel_loop3A_159 : vector<16xf32>
      %parallel_loop3A_161 = arith.constant 7 : i32
      %parallel_loop3A_162 = arith.index_cast %parallel_loop3A_161 : i32 to index
      %parallel_loop3A_163 = arith.index_cast %parallel_loop3A_42 : i32 to index
      %parallel_loop3A_164 = tpu.vector_load %arg11[%parallel_loop3A_162, %parallel_loop3A_163] {strides = array<i32>} : memref<10x1024xf32, #tpu.memory_space<vmem>>, vector<16xf32>,
      tpu.vector_store %arg11[%parallel_loop3A_162, %parallel_loop3A_163], %parallel_loop3A_160 {strides = array<i32>} : memref<10x1024xf32, #tpu.memory_space<vmem>>, vector<16xf32>,
      %parallel_loop3A_165 = tpu.vector_load_idx %arg10[%broadcast_in_dim3A_37, %parallel_loop3A_44] : memref<16x16xf32, #tpu.memory_space<vmem>>[vector<16xi32>, vector<16xi32>], vector<16xf32>,
      %parallel_loop3A_166 = arith.constant 8 : i32
      %parallel_loop3A_167 = arith.index_cast %parallel_loop3A_166 : i32 to index
      %parallel_loop3A_168 = arith.index_cast %parallel_loop3A_42 : i32 to index
      %parallel_loop3A_169 = tpu.vector_load %arg9[%parallel_loop3A_167, %parallel_loop3A_168] {strides = array<i32>} : memref<10x1024xf32, #tpu.memory_space<vmem>>, vector<16xf32>,
      %parallel_loop3A_170 = arith.constant 8 : i32
      %parallel_loop3A_171 = arith.index_cast %parallel_loop3A_170 : i32 to index
      %parallel_loop3A_172 = arith.index_cast %parallel_loop3A_42 : i32 to index
      %parallel_loop3A_173 = tpu.vector_load %arg8[%parallel_loop3A_171, %parallel_loop3A_172] {strides = array<i32>} : memref<10x1024xf32, #tpu.memory_space<vmem>>, vector<16xf32>,
      %parallel_loop3A_174 = arith.mulf %parallel_loop3A_173, %parallel_loop3A_165 : vector<16xf32>
      %parallel_loop3A_175 = arith.addf %parallel_loop3A_169, %parallel_loop3A_174 : vector<16xf32>
      %parallel_loop3A_176 = arith.constant 8 : i32
      %parallel_loop3A_177 = arith.index_cast %parallel_loop3A_176 : i32 to index
      %parallel_loop3A_178 = arith.index_cast %parallel_loop3A_42 : i32 to index
      %parallel_loop3A_179 = tpu.vector_load %arg11[%parallel_loop3A_177, %parallel_loop3A_178] {strides = array<i32>} : memref<10x1024xf32, #tpu.memory_space<vmem>>, vector<16xf32>,
      tpu.vector_store %arg11[%parallel_loop3A_177, %parallel_loop3A_178], %parallel_loop3A_175 {strides = array<i32>} : memref<10x1024xf32, #tpu.memory_space<vmem>>, vector<16xf32>,
      %parallel_loop3A_180 = tpu.vector_load_idx %arg10[%broadcast_in_dim3A_39, %parallel_loop3A_44] : memref<16x16xf32, #tpu.memory_space<vmem>>[vector<16xi32>, vector<16xi32>], vector<16xf32>,
      %parallel_loop3A_181 = arith.constant 9 : i32
      %parallel_loop3A_182 = arith.index_cast %parallel_loop3A_181 : i32 to index
      %parallel_loop3A_183 = arith.index_cast %parallel_loop3A_42 : i32 to index
      %parallel_loop3A_184 = tpu.vector_load %arg9[%parallel_loop3A_182, %parallel_loop3A_183] {strides = array<i32>} : memref<10x1024xf32, #tpu.memory_space<vmem>>, vector<16xf32>,
      %parallel_loop3A_185 = arith.constant 9 : i32
      %parallel_loop3A_186 = arith.index_cast %parallel_loop3A_185 : i32 to index
      %parallel_loop3A_187 = arith.index_cast %parallel_loop3A_42 : i32 to index
      %parallel_loop3A_188 = tpu.vector_load %arg8[%parallel_loop3A_186, %parallel_loop3A_187] {strides = array<i32>} : memref<10x1024xf32, #tpu.memory_space<vmem>>, vector<16xf32>,
      %parallel_loop3A_189 = arith.mulf %parallel_loop3A_188, %parallel_loop3A_180 : vector<16xf32>
      %parallel_loop3A_190 = arith.addf %parallel_loop3A_184, %parallel_loop3A_189 : vector<16xf32>
      %parallel_loop3A_191 = arith.constant 9 : i32
      %parallel_loop3A_192 = arith.index_cast %parallel_loop3A_191 : i32 to index
      %parallel_loop3A_193 = arith.index_cast %parallel_loop3A_42 : i32 to index
      %parallel_loop3A_194 = tpu.vector_load %arg11[%parallel_loop3A_192, %parallel_loop3A_193] {strides = array<i32>} : memref<10x1024xf32, #tpu.memory_space<vmem>>, vector<16xf32>,
      tpu.vector_store %arg11[%parallel_loop3A_192, %parallel_loop3A_193], %parallel_loop3A_190 {strides = array<i32>} : memref<10x1024xf32, #tpu.memory_space<vmem>>, vector<16xf32>,
    } {sc.loop_unroll_factor = 4 : i64, sc.parallel_access}
    "tpu.region"() ({
      %run_scoped3A = tpu.sem_alloc : memref<!tpu.dma_semaphore, #tpu.memory_space<semaphore_mem>>
      %dma_start3A_42 = arith.constant 0 : i32
      %dma_start3A_43 = tpu.memref_slice %arg6[%dma_start3A_42, %mul3A_2] : memref<10x32768xf32, #tpu.memory_space<hbm>> -> memref<10x1024xf32, #tpu.memory_space<hbm>>
      %dma_start3A_44 = arith.constant 0 : i32
      %dma_start3A_45 = tpu.memref_slice %arg6[%dma_start3A_44, %mul3A_2] : memref<10x32768xf32, #tpu.memory_space<hbm>> -> memref<10x1024xf32, #tpu.memory_space<hbm>>
      tpu.enqueue_dma source(%arg11 : memref<10x1024xf32, #tpu.memory_space<vmem>>) target(%dma_start3A_45 : memref<10x1024xf32, #tpu.memory_space<hbm>>) target_semaphore(%run_scoped3A : memref<!tpu.dma_semaphore, #tpu.memory_space<semaphore_mem>>)
      %dma_wait3A_46 = arith.constant 0 : i32
      %dma_wait3A_47 = tpu.memref_slice %arg6[%dma_wait3A_46, %mul3A_2] : memref<10x32768xf32, #tpu.memory_space<hbm>> -> memref<10x1024xf32, #tpu.memory_space<hbm>>
      %dma_wait3A_48 = arith.constant 0 : i32
      %dma_wait3A_49 = tpu.memref_slice %arg6[%dma_wait3A_48, %mul3A_2] : memref<10x32768xf32, #tpu.memory_space<hbm>> -> memref<10x1024xf32, #tpu.memory_space<hbm>>
      tpu.wait_dma2 semaphore(%run_scoped3A : memref<!tpu.dma_semaphore, #tpu.memory_space<semaphore_mem>>) src(%arg11 : memref<10x1024xf32, #tpu.memory_space<vmem>>) dst(%dma_wait3A_49 : memref<10x1024xf32, #tpu.memory_space<hbm>>)
      tpu.yield
    }) : () -> ()
    return
  }
}

module attributes {stable_mosaic.version = 14 : i64} {
  func.func @_tc_body(%arg0: i32, %arg1: memref<8192x256xf32, #tpu.memory_space<vmem>>, %arg2: memref<32x256xf32, #tpu.memory_space<vmem>>, %arg3: memref<32x1xf32, #tpu.memory_space<vmem>>, %arg4: memref<8192xi32, #tpu.memory_space<vmem>>, %arg5: memref<16xf32, #tpu.memory_space<vmem>>, %arg6: memref<10x8192xf32, #tpu.memory_space<vmem>>, %arg7: memref<10x8192xf32, #tpu.memory_space<vmem>>, %arg8: memref<16x16xf32, #tpu.memory_space<vmem>>, %arg9: memref<32x16xf32, #tpu.memory_space<vmem>>) attributes {dimension_semantics = [#tpu.dimension_semantics<arbitrary>], iteration_bounds = array<i64: 4>, scalar_prefetch = 0 : i64, scratch_operands = 1 : i64, tpu.core_type = #tpu.core_type<tc>, window_params = [{transform_indices = @transform_0, window_bounds = array<i64: 8192, 256>}, {pipeline_mode = #tpu.pipeline_mode<synchronous>, transform_indices = @transform_1, window_bounds = array<i64: 32, 256>}, {pipeline_mode = #tpu.pipeline_mode<synchronous>, transform_indices = @transform_2, window_bounds = array<i64: 32, 1>}, {transform_indices = @transform_3, window_bounds = array<i64: 8192>}, {pipeline_mode = #tpu.pipeline_mode<synchronous>, transform_indices = @transform_4, window_bounds = array<i64: 16>}, {transform_indices = @transform_5, window_bounds = array<i64: 10, 8192>}, {transform_indices = @transform_6, window_bounds = array<i64: 10, 8192>}, {pipeline_mode = #tpu.pipeline_mode<synchronous>, transform_indices = @transform_7, window_bounds = array<i64: 16, 16>}]} {
    %get3A = arith.constant 0 : index
    %get3A_0 = arith.constant 0 : index
    %get3A_1 = vector.load %arg2[%get3A, %get3A_0] : memref<32x256xf32, #tpu.memory_space<vmem>>, vector<32x256xf32>
    %get3A_2 = arith.constant 0 : index
    %get3A_3 = arith.constant 0 : index
    %get3A_4 = vector.load %arg1[%get3A_2, %get3A_3] : memref<8192x256xf32, #tpu.memory_space<vmem>>, vector<8192x256xf32>
    %dot_general3A = arith.constant dense<0.000000e+00> : vector<32x8192xf32>
    %dot_general3A_5 = tpu.matmul %get3A_1, %get3A_4, %dot_general3A {dimension_numbers = #tpu.dot_dimension_numbers<[1], [1], [0], [0], [0, 0, 1, 0], [], []>, transpose_lhs_hint = false} : vector<32x256xf32>, vector<8192x256xf32>, vector<32x8192xf32> -> vector<32x8192xf32>
    %get3A_6 = arith.constant 0 : index
    %get3A_7 = arith.constant 0 : index
    %get3A_8 = vector.load %arg3[%get3A_6, %get3A_7] : memref<32x1xf32, #tpu.memory_space<vmem>>, vector<32x1xf32>
    %add3A = vector.broadcast %get3A_8 : vector<32x1xf32> to vector<32x8192xf32>
    %add3A_9 = arith.addf %dot_general3A_5, %add3A : vector<32x8192xf32>
    %slice3A = vector.extract_strided_slice %add3A_9 {offsets = [0, 0], sizes = [16, 8192], strides = [1, 1]} : vector<32x8192xf32> to vector<16x8192xf32>
    %max3A = arith.constant 0.000000e+00 : f32
    %max3A_10 = vector.broadcast %max3A : f32 to vector<16x8192xf32>
    %max3A_11 = arith.maximumf %slice3A, %max3A_10 : vector<16x8192xf32>
    %abs3A = math.absf %slice3A : vector<16x8192xf32>
    %neg3A = arith.constant 0.000000e+00 : f32
    %neg3A_12 = vector.broadcast %neg3A : f32 to vector<16x8192xf32>
    %neg3A_13 = arith.subf %neg3A_12, %abs3A : vector<16x8192xf32>
    %exp3A = math.exp %neg3A_13 : vector<16x8192xf32>
    %log1p3A = math.log1p %exp3A : vector<16x8192xf32>
    %add3A_14 = arith.addf %max3A_11, %log1p3A : vector<16x8192xf32>
    %slice3A_15 = vector.extract_strided_slice %add3A_9 {offsets = [16, 0], sizes = [16, 8192], strides = [1, 1]} : vector<32x8192xf32> to vector<16x8192xf32>
    %slice3A_16 = vector.extract_strided_slice %add3A_14 {offsets = [0, 0], sizes = [10, 8192], strides = [1, 1]} : vector<16x8192xf32> to vector<10x8192xf32>
    %swap3A = arith.constant 0 : index
    %swap3A_17 = arith.constant 0 : index
    %swap3A_18 = vector.load %arg6[%swap3A, %swap3A_17] : memref<10x8192xf32, #tpu.memory_space<vmem>>, vector<10x8192xf32>
    tpu.vector_store %arg6[%swap3A, %swap3A_17], %slice3A_16 {strides = array<i32>} : memref<10x8192xf32, #tpu.memory_space<vmem>>, vector<10x8192xf32>,
    %slice3A_19 = vector.extract_strided_slice %slice3A_15 {offsets = [0, 0], sizes = [10, 8192], strides = [1, 1]} : vector<16x8192xf32> to vector<10x8192xf32>
    %swap3A_20 = arith.constant 0 : index
    %swap3A_21 = arith.constant 0 : index
    %swap3A_22 = vector.load %arg7[%swap3A_20, %swap3A_21] : memref<10x8192xf32, #tpu.memory_space<vmem>>, vector<10x8192xf32>
    tpu.vector_store %arg7[%swap3A_20, %swap3A_21], %slice3A_19 {strides = array<i32>} : memref<10x8192xf32, #tpu.memory_space<vmem>>, vector<10x8192xf32>,
    %iota3A = tpu.iota {dimensions = array<i32: 0>} : vector<16x8192xi32>
    %get3A_23 = arith.constant 0 : index
    %get3A_24 = vector.load %arg4[%get3A_23] : memref<8192xi32, #tpu.memory_space<vmem>>, vector<8192xi32>
    %broadcast_in_dim3A = vector.shape_cast %get3A_24 : vector<8192xi32> to vector<1x8192xi32>
    %eq3A = vector.broadcast %broadcast_in_dim3A : vector<1x8192xi32> to vector<16x8192xi32>
    %eq3A_25 = arith.cmpi eq, %eq3A, %iota3A : vector<16x8192xi32>
    %convert_element_type3A = arith.extui %eq3A_25 : vector<16x8192xi1> to vector<16x8192xi32>
    %convert_element_type3A_26 = arith.sitofp %convert_element_type3A : vector<16x8192xi32> to vector<16x8192xf32>
    %concatenate3A = tpu.concatenate %add3A_14, %slice3A_15 in 0 : vector<16x8192xf32>, vector<16x8192xf32> -> vector<32x8192xf32>
    %dot_general3A_27 = arith.constant dense<0.000000e+00> : vector<32x16xf32>
    %dot_general3A_28 = tpu.matmul %concatenate3A, %convert_element_type3A_26, %dot_general3A_27 {dimension_numbers = #tpu.dot_dimension_numbers<[1], [1], [0], [0], [0, 0, 1, 0], [], []>, transpose_lhs_hint = false} : vector<32x8192xf32>, vector<16x8192xf32>, vector<32x16xf32> -> vector<32x16xf32>
    %eq3A_29 = arith.constant 0 : i32
    %eq3A_30 = arith.cmpi eq, %arg0, %eq3A_29 : i32
    %convert_element_type3A_31 = arith.extui %eq3A_30 : i1 to i32
    %cond3A = arith.constant 0 : i32
    %cond3A_32 = arith.cmpi ne, %convert_element_type3A_31, %cond3A : i32
    scf.if %cond3A_32 {
      %swap3A_42 = arith.constant 0 : index
      %swap3A_43 = arith.constant 0 : index
      %swap3A_44 = vector.load %arg9[%swap3A_42, %swap3A_43] : memref<32x16xf32, #tpu.memory_space<vmem>>, vector<32x16xf32>
      tpu.vector_store %arg9[%swap3A_42, %swap3A_43], %dot_general3A_28 {strides = array<i32>} : memref<32x16xf32, #tpu.memory_space<vmem>>, vector<32x16xf32>,
    } else {
    }
    %ne3A = arith.constant 0 : i32
    %ne3A_33 = arith.cmpi ne, %arg0, %ne3A : i32
    %convert_element_type3A_34 = arith.extui %ne3A_33 : i1 to i32
    %cond3A_35 = arith.constant 0 : i32
    %cond3A_36 = arith.cmpi ne, %convert_element_type3A_34, %cond3A_35 : i32
    scf.if %cond3A_36 {
      %get3A_42 = arith.constant 0 : index
      %get3A_43 = arith.constant 0 : index
      %get3A_44 = vector.load %arg9[%get3A_42, %get3A_43] : memref<32x16xf32, #tpu.memory_space<vmem>>, vector<32x16xf32>
      %add3A_45 = arith.addf %get3A_44, %dot_general3A_28 : vector<32x16xf32>
      %swap3A_46 = arith.constant 0 : index
      %swap3A_47 = arith.constant 0 : index
      %swap3A_48 = vector.load %arg9[%swap3A_46, %swap3A_47] : memref<32x16xf32, #tpu.memory_space<vmem>>, vector<32x16xf32>
      tpu.vector_store %arg9[%swap3A_46, %swap3A_47], %add3A_45 {strides = array<i32>} : memref<32x16xf32, #tpu.memory_space<vmem>>, vector<32x16xf32>,
    } else {
    }
    %eq3A_37 = arith.constant 3 : i32
    %eq3A_38 = arith.cmpi eq, %arg0, %eq3A_37 : i32
    %convert_element_type3A_39 = arith.extui %eq3A_38 : i1 to i32
    %cond3A_40 = arith.constant 0 : i32
    %cond3A_41 = arith.cmpi ne, %convert_element_type3A_39, %cond3A_40 : i32
    scf.if %cond3A_41 {
      %get3A_42 = arith.constant 0 : index
      %get3A_43 = arith.constant 0 : index
      %get3A_44 = vector.load %arg9[%get3A_42, %get3A_43] : memref<32x16xf32, #tpu.memory_space<vmem>>, vector<32x16xf32>
      %slice3A_45 = vector.extract_strided_slice %get3A_44 {offsets = [0, 0], sizes = [16, 16], strides = [1, 1]} : vector<32x16xf32> to vector<16x16xf32>
      %slice3A_46 = vector.extract_strided_slice %get3A_44 {offsets = [16, 0], sizes = [16, 16], strides = [1, 1]} : vector<32x16xf32> to vector<16x16xf32>
      %get3A_47 = arith.constant 0 : index
      %get3A_48 = vector.load %arg5[%get3A_47] : memref<16xf32, #tpu.memory_space<vmem>>, vector<16xf32>
      %broadcast_in_dim3A_49 = vector.shape_cast %get3A_48 : vector<16xf32> to vector<1x16xf32>
      %sub3A = vector.broadcast %broadcast_in_dim3A_49 : vector<1x16xf32> to vector<16x16xf32>
      %sub3A_50 = arith.subf %sub3A, %slice3A_46 : vector<16x16xf32>
      %div3A = arith.divf %sub3A_50, %slice3A_45 : vector<16x16xf32>
      %iota3A_51 = tpu.iota {dimensions = array<i32: 0>} : vector<16x16xi32>
      %lt3A = arith.constant 10 : i32
      %lt3A_52 = vector.broadcast %lt3A : i32 to vector<16x16xi32>
      %lt3A_53 = arith.cmpi slt, %iota3A_51, %lt3A_52 : vector<16x16xi32>
      %jit3A = arith.constant 0.000000e+00 : f32
      %broadcast_in_dim3A_54 = vector.broadcast %jit3A : f32 to vector<16x16xf32>
      %select_n3A = arith.select %lt3A_53, %div3A, %broadcast_in_dim3A_54 : vector<16x16xi1>, vector<16x16xf32>
      %swap3A_55 = arith.constant 0 : index
      %swap3A_56 = arith.constant 0 : index
      %swap3A_57 = vector.load %arg8[%swap3A_55, %swap3A_56] : memref<16x16xf32, #tpu.memory_space<vmem>>, vector<16x16xf32>
      tpu.vector_store %arg8[%swap3A_55, %swap3A_56], %select_n3A {strides = array<i32>} : memref<16x16xf32, #tpu.memory_space<vmem>>, vector<16x16xf32>,
    } else {
    }
    return
  }
  func.func @transform_0(%arg0: i32) -> (i32, i32) {
    %c0_i32 = arith.constant 0 : i32
    %c0_i32_0 = arith.constant 0 : i32
    return %arg0, %c0_i32 : i32, i32
  }
  func.func @transform_1(%arg0: i32) -> (i32, i32) {
    %c0_i32 = arith.constant 0 : i32
    %c0_i32_0 = arith.constant 0 : i32
    %c0_i32_1 = arith.constant 0 : i32
    return %c0_i32, %c0_i32_0 : i32, i32
  }
  func.func @transform_2(%arg0: i32) -> (i32, i32) {
    %c0_i32 = arith.constant 0 : i32
    %c0_i32_0 = arith.constant 0 : i32
    %c0_i32_1 = arith.constant 0 : i32
    return %c0_i32, %c0_i32_0 : i32, i32
  }
  func.func @transform_3(%arg0: i32) -> i32 {
    %c0_i32 = arith.constant 0 : i32
    return %arg0 : i32
  }
  func.func @transform_4(%arg0: i32) -> i32 {
    %c0_i32 = arith.constant 0 : i32
    %c0_i32_0 = arith.constant 0 : i32
    return %c0_i32 : i32
  }
  func.func @transform_5(%arg0: i32) -> (i32, i32) {
    %c0_i32 = arith.constant 0 : i32
    %c0_i32_0 = arith.constant 0 : i32
    return %c0_i32, %arg0 : i32, i32
  }
  func.func @transform_6(%arg0: i32) -> (i32, i32) {
    %c0_i32 = arith.constant 0 : i32
    %c0_i32_0 = arith.constant 0 : i32
    return %c0_i32, %arg0 : i32, i32
  }
  func.func @transform_7(%arg0: i32) -> (i32, i32) {
    %c0_i32 = arith.constant 0 : i32
    %c0_i32_0 = arith.constant 0 : i32
    %c0_i32_1 = arith.constant 0 : i32
    return %c0_i32, %c0_i32_0 : i32, i32
  }
}

</mosaic_0001>

<sc_bundles>
// kernel: kernel.4.cloned.1.call-start
scs
__scs_entry_jumppad:
0x0: {  	(pc) =	sbr.rel $0x88, $3  }
0x1: {  	(tag) =	ssettag $0x0;
	lr =	simm.s32 $0x1  }
0x2: {  	[smem:$0x3F9A] =	sst lr;
	_ =	strace $0xD0000000  }
0x3: {  	_ = 	snop  }
0x4: {  	_ = 	snop  }
0x5: {  	_ = 	snop  }
0x6: {  	_ = 	snop  }
0x7: {  	_ = 	snop  }
__scs_overlays_trampoline_lowered:
0x8: {  	[smem:$0x3FA9] =	sst s0  }
0x9: {  	[smem:$0x3FAA] =	sst s1  }
0xa: {  	[smem:$0x3FAB] =	sst s2  }
0xb: {  	[smem:$0x3FAC] =	sst s3  }
0xc: {  	[smem:$0x3FAD] =	sst s4  }
0xd: {  	[smem:$0x3FAE] =	sst s5  }
0xe: {  	[smem:$0x3FAF] =	sst s6  }
0xf: {  	[smem:$0x3FB0] =	sst s7  }
0x10: {  	[smem:$0x3FB1] =	sst s8  }
0x11: {  	[smem:$0x3FB2] =	sst s9;
	s0 =	simm.s32 @!p0 $0x0  }
0x12: {  	s1 =	sld [smem:$0x3F98];
	s0 =	simm.s32 @p0 $0x1  }
0x13: {  	[smem:$0x3FB3] =	sst s0;
	s0 =	simm.s32 @!p1 $0x0  }
0x14: {  	s2 =	sld [smem:$0x3F97];
	s0 =	simm.s32 @p1 $0x1  }
0x15: {  	[smem:$0x3FB4] =	sst s0;
	s0 =	simm.s32 @!p2 $0x0  }
0x16: {  	s3 =	sld [smem:$0x3FDB];
	s0 =	simm.s32 @p2 $0x1  }
0x17: {  	s4 =	simm.s32 $0x1BF5;
	[smem:$0x3FB6] =	sst s0  }
0x18: {  	s0 =	sld [smem:$0x3F99];
	_ =	swait.ge [sflag:s4], $0x0  }
0x19: {  	s7 =	sld [smem:$0x3F9A]  }
0x1a: {  	s8 =	sadd.s32 $0xFFFFE003, lr  }
0x1b: {  	s9 =	sadd.s32 $0xFFFFFEF7, lr;
	s5 =	simm.s32 $0xFFFFFFFF;
	p2 =	slt.u32 s8, $0xFFFFF086  }
0x1c: {  	p1 =	slt.u32 s9, $0xF7A;
	s5 =	simm.s32 @!p2 $0x0  }
0x1d: {  	s5 =	simm.s32 @p1 $0x1;
	p0 =	seq.s32 s7, s2  }
0x1e: {  	s7 =	smul.u32 @!p0 $0xF7A, s2;
	p2 =	seq.s32 @!p0 s5, $0x0  }
0x1f: {  	s9 =	smul.u32 $0xF7A, s1;
	s8 =	simm.s32 @!p0 $0x1BF5;
	p2 =	por !p2, p0  }
0x20: {  	[sflag:s8] =	ssyncset.s32 @!p0 $0xFFFFF086;
	s6 =	sadd.s32 @!p0 s3, s7;
	s7 =	simm.s32 @!p0 $0x108  }
0x21: {  	s3 =	sadd.s32 s3, s9;
	s6 =	sadd.s32 @!p0 $0x88, s6;
	s7 =	simm.s32 @p2 $0x1082  }
0x22: {  	[simem:s7], [sflag:s8] =	dma.local @!p0 [hbm:s6], $0xF7A  }
0x23: {  	s9 =	sor.u32 $0xD0000000, s2;
	s6 =	simm.s32 $0x108;
	_ =	swait.ge @!p0 [sflag:s8], $0x0  }
0x24: {  	s3 =	sadd.s32 $0x88, s3;
	s6 =	simm.s32 @!p1 $0x1082;
	[sflag:s4] =	ssyncset.s32 $0xFFFFF086  }
0x25: {  	[simem:s6], [sflag:s4] =	dma.local [hbm:s3], $0xF7A  }
0x26: {  	[smem:$0x3F9A] =	sst s1;
	(tag) =	ssettag s2;
	_ =	strace s9  }
0x27: {  	s1 =	sld [smem:$0x3FAA]  }
0x28: {  	s2 =	sld [smem:$0x3FAB]  }
0x29: {  	s4 =	sld [smem:$0x3FAD]  }
0x2a: {  	p0 =	seq.s32 s5, $0x0;
	s5 =	sld [smem:$0x3FAE]  }
0x2b: {  	s6 =	sld [smem:$0x3FAF]  }
0x2c: {  	s7 =	sld [smem:$0x3FB0]  }
0x2d: {  	s3 =	simm.s32 $0x108;
	s8 =	sld [smem:$0x3FB1]  }
0x2e: {  	s3 =	simm.s32 @!p0 $0x1082;
	s9 =	sld [smem:$0x3FB2]  }
0x2f: {  	lr =	sadd.s32 s0, s3;
	s0 =	sld [smem:$0x3FA9]  }
0x30: {  	s3 =	sld [smem:$0x3FAC]  }
0x31: {  	[smem:$0x3FB5] =	sst s10  }
0x32: {  	s10 =	sld [smem:$0x3FB3];
	_ =	sdelay $0x3  }
0x33: {  	p0 =	seq.s32 s10, $0x1;
	s10 =	sld [smem:$0x3FB5];
	_ =	sdelay $0x3  }
0x34: {  	[smem:$0x3FB5] =	sst s10  }
0x35: {  	s10 =	sld [smem:$0x3FB4];
	_ =	sdelay $0x3  }
0x36: {  	p1 =	seq.s32 s10, $0x1;
	s10 =	sld [smem:$0x3FB5];
	_ =	sdelay $0x3  }
0x37: {  	[smem:$0x3FB5] =	sst s10  }
0x38: {  	s10 =	sld [smem:$0x3FB6]  }
0x39: {  	_ = 	snop;
	(pc) =	sbr.ind lr, $3  }
0x3a: {  	_ = 	snop  }
0x3b: {  	_ = 	snop  }
0x3c: {  	p2 =	seq.s32 s10, $0x1;
	s10 =	sld [smem:$0x3FB5]  }
0x3d: {  	_ =	shalt  }
0x3e: {  	_ =	shalt  }
0x3f: {  	_ =	shalt  }
0x40: {  	_ =	shalt  }
0x41: {  	_ =	shalt  }
0x42: {  	_ =	shalt  }
0x43: {  	_ =	shalt  }
0x44: {  	_ =	shalt  }
0x45: {  	_ =	shalt  }
0x46: {  	_ =	shalt  }
0x47: {  	_ =	shalt  }
0x48: {  	_ =	shalt  }
0x49: {  	_ =	shalt  }
0x4a: {  	_ =	shalt  }
0x4b: {  	_ =	shalt  }
0x4c: {  	_ =	shalt  }
0x4d: {  	_ =	shalt  }
0x4e: {  	_ =	shalt  }
0x4f: {  	_ =	shalt  }
0x50: {  	_ =	shalt  }
0x51: {  	_ =	shalt  }
0x52: {  	_ =	shalt  }
0x53: {  	_ =	shalt  }
0x54: {  	_ =	shalt  }
0x55: {  	_ =	shalt  }
0x56: {  	_ =	shalt  }
0x57: {  	_ =	shalt  }
0x58: {  	_ =	shalt  }
0x59: {  	_ =	shalt  }
0x5a: {  	_ =	shalt  }
0x5b: {  	_ =	shalt  }
0x5c: {  	_ =	shalt  }
0x5d: {  	_ =	shalt  }
0x5e: {  	_ =	shalt  }
0x5f: {  	_ =	shalt  }
0x60: {  	_ =	shalt  }
0x61: {  	_ =	shalt  }
0x62: {  	_ =	shalt  }
0x63: {  	_ =	shalt  }
0x64: {  	_ =	shalt  }
0x65: {  	_ =	shalt  }
0x66: {  	_ =	shalt  }
0x67: {  	_ =	shalt  }
0x68: {  	_ =	shalt  }
0x69: {  	_ =	shalt  }
0x6a: {  	_ =	shalt  }
0x6b: {  	_ =	shalt  }
0x6c: {  	_ =	shalt  }
0x6d: {  	_ =	shalt  }
0x6e: {  	_ =	shalt  }
0x6f: {  	_ =	shalt  }
0x70: {  	_ =	shalt  }
0x71: {  	_ =	shalt  }
0x72: {  	_ =	shalt  }
0x73: {  	_ =	shalt  }
0x74: {  	_ =	shalt  }
0x75: {  	_ =	shalt  }
0x76: {  	_ =	shalt  }
0x77: {  	_ =	shalt  }
0x78: {  	_ =	shalt  }
0x79: {  	_ =	shalt  }
0x7a: {  	_ =	shalt  }
0x7b: {  	_ =	shalt  }
0x7c: {  	_ =	shalt  }
0x7d: {  	_ =	shalt  }
0x7e: {  	_ =	shalt  }
0x7f: {  	_ =	shalt  }
0x80: {  	_ =	shalt  }
0x81: {  	_ =	shalt  }
0x82: {  	_ =	shalt  }
0x83: {  	_ =	shalt  }
0x84: {  	_ =	shalt  }
0x85: {  	_ =	shalt  }
0x86: {  	_ =	shalt  }
0x87: {  	_ =	shalt  }
.Lfunc_end0:
.L_simem_size_0:
called_computation_lowered:
.L_overlay_start_0:
0x88: {  	s2 =	sld [smem:$0x3FD9]  }
0x89: {  	s3 =	sld [smem:$0x3FFE];
	_ =	sdelay $0x1  }
0x8a: {  	s1 =	srdreg.scid  }
0x8b: {  	s0 =	sand.u32 $0x1, s1  }
0x8c: {  	s17 =	sshll.u32 s0, $0xA;
	s2 =	sadd.s32 s3, s2  }
0x8d: {  	s2 =	sadd.s32 s2, s17  }
0x8e: {  	[smem:$0x3FC1] =	sst s2  }
0x8f: {  	_ = 	snop  }
0x90: {  	s2 =	sld [smem:$0x3FC8]  }
0x91: {  	s18 =	sld [smem:$0x3FD0];
	(tm) =	ssettm $0x1  }
0x92: {  	s4 =	sld [smem:$0x3FFB];
	_ =	sdelay $0x3  }
0x93: {  	_ =	strace s4  }
0x94: {  	s4 =	sld [smem:$0x3FFC];
	_ =	sdelay $0x3  }
0x95: {  	_ =	strace s4  }
0x96: {  	s4 =	sld [smem:$0x3FFD];
	_ =	sdelay $0x3  }
0x97: {  	_ =	strace s4  }
0x98: {  	_ =	strace $0x8FFFFFFF  }
0x99: {  	s19 =	sld [smem:$0x3FDB];
	_ =	sdelay $0x1  }
0x9a: {  	s5 =	simm.s32 $_scs_section_size  }
0x9b: {  	s6 =	simm.s32 $_size__tile_overlayer_lowered;
	s7 =	simm.s32 $_tile_overlayer_lowered  }
0x9c: {  	s22 =	simm.s32 $0x1BFF;
	s21 =	sshll.u32 s7, $0x1;
	s4 =	sadd.s32 s5, s19  }
0x9d: {  	s8 =	simm.s32 $0x0;
	s20 =	sshll.u32 s6, $0x1;
	s6 =	sadd.s32 s21, s4  }
0x9e: {  	[timem:s8], [sflag:s22] =	dma.local [hbm:s6], s20  }
0x9f: {  	_ =	swait.ge [sflag:s22], s20  }
0xa0: {  	s5 =	ssub.s32 $0x0, s20;
	[sflag:s22] =	ssyncset.done $0x0  }
0xa1: {  	[sflag:s22] =	ssyncadd.s32 s5;
	_ =	sdelay $0x1  }
0xa2: {  	s23 =	simm.s32 $0x1B8B  }
0xa3: {  	_ =	swait.ge [sflag:s23], $0x1  }
0xa4: {  	[sflag:s23] =	ssyncset.done $0x0  }
0xa5: {  	s25 =	simm.s32 $0x1B8E;
	s24 =	sld [smem:$0x3FFE];
	[sflag:s23] =	ssyncadd.s32 $0xFFFFFFFF  }
0xa6: {  	s26 =	simm.s32 $execute0_lowered;
	[smem:$0x3FD2] =	sst s25  }
0xa7: {  	s6 =	sshll.u32 s26, $0x1;
	_ =	strace $0x80000046;
	[dreg:$0x1] =	wrdreg $0xFFFFFFFF  }
0xa8: {  	s28 =	simm.s32 $_size_execute0_lowered;
	s4 =	sadd.s32 s4, s6;
	[dreg:$0x0] =	wrdreg $0x0  }
0xa9: {  	s6 =	sshll.u32 s28, $0x1;
	[dreg:$0x2] =	wrdreg s4  }
0xaa: {  	[dreg:$0x3] =	wrdreg s6  }
0xab: {  	[dreg:$0x4] =	wrdreg $0xC0  }
0xac: {  	_ =	task [dreg:s8], $0x5FFFF  }
0xad: {  	[dreg:$0x1] =	wrdreg $0xFFFFFFFF  }
0xae: {  	[dreg:$0x0] =	wrdreg $0x60  }
0xaf: {  	[dreg:$0x2] =	wrdreg s24  }
0xb0: {  	[dreg:$0x3] =	wrdreg s2  }
0xb1: {  	[dreg:$0x4] =	wrdreg s18  }
0xb2: {  	[dreg:$0x5] =	wrdreg $0x9  }
0xb3: {  	_ =	task.clear_ibuf [dreg:s8], $0x6FFFF;
	_ =	strace $0x90000046  }
0xb4: {  	s29 =	simm.s32 $0x9;
	_ =	strace $0x80000048  }
0xb5: {  	_ =	swait.ge [sflag:s29], $0x1  }
0xb6: {  	[sflag:s29] =	ssyncadd.s32 $0xFFFFFFFF  }
0xb7: {  	_ =	strace $0x90000048  }
0xb8: {  	_ =	sfence  }
0xb9: {  	s30 =	sld [smem:$0x0];
	_ =	sdelay $0x2  }
0xba: {  	s31 =	sshll.u32 s1, $0xD;
	s1 =	sshrl.u32 s1, $0x2  }
0xbb: {  	s3 =	sand.u32 $0x4000, s31;
	s1 =	sadd.s32 s1, s30  }
0xbc: {  	s0 =	sor.u32 s3, s0;
	s1 =	sshll.u32 s1, $0x11  }
0xbd: {  	s0 =	sor.u32 s1, s0  }
0xbe: {  	s0 =	sadd.s32 $0x8F2B, s0  }
0xbf: {  	[sflag:s0] =	ssyncadd.remote.s32 $0x1  }
0xc0: {  	_ =	sfence.sel $0xFFFF  }
0xc1: {  	[dreg:$0x0] =	wrdreg $0xFFFFFFFF;
	(pc) =	sbr.abs _section_cstart, $3  }
0xc2: {  	[dreg:$0x1] =	wrdreg $0xFFFFFFFF  }
0xc3: {  	_ =	task.clear_ibuf [dreg:s8], $0x2FFFF;
	_ =	strace $0x9FFFFFFF  }
0xc4: {  	(tm) =	ssettm $0x7FFFFFFF  }
0xc5: {  	_ =	shalt  }
tec
execute0_lowered:
.L_overlay_start_1:
0x0: {  	(tag) =	ssettag $0x1  }
0x1: {  	s0 =	rddreg [dreg:$0x0]  }
0x2: {  	s1 =	rddreg [dreg:$0x1]  }
0x3: {  	s3 =	rddreg [dreg:$0x2]  }
0x4: {  	s2 =	srdreg.scid;
	s5 =	stileid.u32  }
0x5: {  	s9 =	simm.s32 $0x8400;
	s11 =	simm.s32 $0x40000;
	s14 =	simm.s32 $0x1  }
0x6: {  	s15 =	simm.s32 $0x2;
	s16 =	simm.s32 $0x3;
	s4 =	sand.u32 $0x1, s2  }
0x7: {  	s2 =	simm.s32 $0x0;
	s5 =	sshll.u32 s5, $0xB;
	s6 =	sshll.u32 s4, $0xA  }
0x8: {  	s17 =	simm.s32 $0x4;
	[smem:$0x7FF] =	sst s2;
	s5 =	sor.u32 s6, s5  }
0x9: {  	_ =	strace $0x80000047;
	s6 =	sadd.s32 s5, s0;
	s0 =	sadd.s32 $0x21000, s0  }
0xa: {  	s7 =	sshrl.u32 s5, $0x3;
	s31 =	sadd.s32 s3, s5;
	[dreg:$0x4] =	wrdreg s0  }
0xb: {  	s4 =	ssub.s32 $0x2, s4;
	s1 =	sadd.s32 s1, s7;
	[dreg:$0x8] =	wrdreg s31  }
0xc: {  	s28 =	sshrl.u32 s4, $0x1;
	s29 =	sadd.s32 $0x1000, s6;
	[dreg:$0x5] =	wrdreg s1  }
0xd: {  	s0 =	ssub.s32 s4, s28;
	s30 =	sadd.s32 $0x11000, s6;
	[dreg:$0x6] =	wrdreg s29  }
0xe: {  	s19 =	simm.s32 $0x5;
	[dreg:$0x7] =	wrdreg s30;
	s0 =	smax.u32 s0, $0x1  }
0xf: {  	s20 =	simm.s32 $0x0;
	s1 =	simm.s32 $0x2000;
	[dreg:$0x9] =	wrdreg s0  }
.LBB2_1:
0x10: {  	s0 =	rddreg [dreg:$0x4]  }
0x11: {  	[tilespmem:s9], [sflag:$0x1] =	stream.linear.gather [hbm4b:s0+s2], $0x800, $0x38;
	[tilespmem:$0xCC00] =	vst v63  }
0x12: {  	s6 =	rddreg [dreg:$0x5]  }
0x13: {  	[tilespmem:s2], [sflag:$0x2] =	stream.linear.gather [hbm4b:s6+s2], $0x400, $0x38;
	[tilespmem:$0xCC00] =	vst v63  }
0x14: {  	s7 =	rddreg [dreg:$0x6];
	s3 =	simm.s32 $0x400  }
0x15: {  	[tilespmem:s3], [sflag:$0x3] =	stream.strided.gather [hbm4b:s7+s1], $0x4000, s11, s1, $0x38;
	[tilespmem:$0xCC00] =	vst v63  }
0x16: {  	s8 =	rddreg [dreg:$0x7];
	s10 =	simm.s32 $0x4400  }
0x17: {  	[tilespmem:s10], [sflag:$0x4] =	stream.strided.gather [hbm4b:s8+s1], $0x4000, s11, s1, $0x38;
	[tilespmem:$0xCC00] =	vst v63  }
0x18: {  	_ =	swait.ge [sflag:s14], $0x800  }
0x19: {  	[sflag:s14] =	ssyncset.done $0x0  }
0x1a: {  	[sflag:s14] =	ssyncadd.s32 $0xFFFFF800  }
0x1b: {  	_ =	swait.ge [sflag:s15], $0x400  }
0x1c: {  	[sflag:s15] =	ssyncset.done $0x0  }
0x1d: {  	[sflag:s15] =	ssyncadd.s32 $0xFFFFFC00  }
0x1e: {  	_ =	swait.ge [sflag:s16], $0x4000  }
0x1f: {  	[sflag:s16] =	ssyncset.done $0x0  }
0x20: {  	s25 =	simm.s32 $0x0;
	[sflag:s16] =	ssyncadd.s32 $0xFFFFC000  }
0x21: {  	s12 =	sand.u32 $0x40, s25;
	_ =	swait.ge [sflag:s17], $0x4000  }
0x22: {  	s13 =	sand.u32 $0x380, s25;
	s18 =	sor.u32 $0x30, s12;
	[sflag:s17] =	ssyncset.done $0x0  }
0x23: {  	s4 =	sor.u32 s18, s13;
	[sflag:s17] =	ssyncadd.s32 $0xFFFFC000  }
0x24: {  	v1 =	vld [tilespmem:s4+$0x0]  }
0x25: {  	s5 =	sor.u32 $0x10, s12  }
0x26: {  	s21 =	sor.u32 s5, s13;
	s6 =	sor.u32 $0x20, s12;
	v0 =	vld [tilespmem:s2+$0x0]  }
0x27: {  	s22 =	sand.u32 $0x1C00, s2;
	s1 =	sor.u32 s6, s13;
	v3 =	vld [tilespmem:s21+$0x0]  }
0x28: {  	s24 =	sor.u32 s18, s22;
	v2 =	vld [tilespmem:s1+$0x0]  }
0x29: {  	v6 =	vld [tilespmem:s24+$0x400]  }
0x2a: {  	s23 =	sor.u32 s5, s22;
	v8 =	vld [tilespmem:s24+$0x4400]  }
0x2b: {  	v10 =	vld [tilespmem:s23+$0x400]  }
0x2c: {  	v5 =	vld.idx.msk [tilespmem:v1+s9+$0x0], $0xffff  }
0x2d: {  	s21 =	sor.u32 s6, s22;
	v13 =	vld [tilespmem:s23+$0x4400]  }
0x2e: {  	v11 =	vld [tilespmem:s21+$0x400]  }
0x2f: {  	v7 =	vld.idx.msk [tilespmem:v3+s9+$0x0], $0xffff  }
0x30: {  	s22 =	sor.u32 s12, s22;
	v9 =	vld.idx.msk [tilespmem:v2+s9+$0x0], $0xffff  }
0x31: {  	v12 =	vld [tilespmem:s22+$0x400];
	v5 =	vmul.f32 v6, v5  }
0x32: {  	v4 =	vld.idx.msk [tilespmem:v0+s9+$0x0], $0xffff;
	v6 =	vadd.s32 $0x80, v1  }
0x33: {  	v5 =	vadd.f32 v5, v8;
	v8 =	vld [tilespmem:s21+$0x4400]  }
0x34: {  	v14 =	vld [tilespmem:s22+$0x4400];
	v7 =	vmul.f32 v10, v7  }
0x35: {  	v9 =	vmul.f32 v11, v9;
	v11 =	vld [tilespmem:s24+$0x480];
	[tilespmem:s24+$0x8C00] =	vst v5;
	v5 =	vadd.s32 $0x80, v3  }
0x36: {  	v10 =	vadd.s32 $0x80, v2;
	v7 =	vadd.f32 v7, v13;
	v13 =	vld [tilespmem:s23+$0x480]  }
0x37: {  	v4 =	vmul.f32 v12, v4;
	v12 =	vadd.s32 $0x80, v0;
	v6 =	vld.idx.msk [tilespmem:v6+s9+$0x0], $0xffff  }
0x38: {  	[tilespmem:s23+$0x8C00] =	vst v7;
	v7 =	vld [tilespmem:s21+$0x480];
	v8 =	vadd.f32 v9, v8  }
0x39: {  	v4 =	vadd.f32 v4, v14;
	v9 =	vld [tilespmem:s24+$0x4480]  }
0x3a: {  	v5 =	vld.idx.msk [tilespmem:v5+s9+$0x0], $0xffff;
	[tilespmem:s21+$0x8C00] =	vst v8  }
0x3b: {  	[tilespmem:s22+$0x8C00] =	vst v4;
	v4 =	vld.idx.msk [tilespmem:v10+s9+$0x0], $0xffff  }
0x3c: {  	v8 =	vadd.s32 $0x100, v1;
	v6 =	vmul.f32 v11, v6;
	v10 =	vld.idx.msk [tilespmem:v12+s9+$0x0], $0xffff  }
0x3d: {  	v11 =	vld [tilespmem:s22+$0x480]  }
0x3e: {  	v6 =	vadd.f32 v6, v9;
	v9 =	vld [tilespmem:s23+$0x4480]  }
0x3f: {  	v14 =	vld [tilespmem:s22+$0x4480]  }
0x40: {  	v12 =	vld [tilespmem:s21+$0x4480];
	[tilespmem:s24+$0x8C80] =	vst v6  }
0x41: {  	v5 =	vmul.f32 v13, v5;
	v6 =	vld.idx.msk [tilespmem:v8+s9+$0x0], $0xffff;
	v8 =	vadd.s32 $0x100, v3  }
0x42: {  	v13 =	vld [tilespmem:s24+$0x500];
	v4 =	vmul.f32 v7, v4  }
0x43: {  	v7 =	vld [tilespmem:s23+$0x500];
	v10 =	vmul.f32 v11, v10;
	v11 =	vadd.s32 $0x100, v0;
	v5 =	vadd.f32 v5, v9  }
0x44: {  	v9 =	vld [tilespmem:s24+$0x4500]  }
0x45: {  	v10 =	vadd.f32 v10, v14;
	[tilespmem:s23+$0x8C80] =	vst v5;
	v5 =	vld [tilespmem:s21+$0x500]  }
0x46: {  	v15 =	vadd.s32 $0x100, v2;
	v8 =	vld.idx.msk [tilespmem:v8+s9+$0x0], $0xffff  }
0x47: {  	v4 =	vadd.f32 v4, v12;
	v12 =	vadd.s32 $0x180, v1;
	[tilespmem:s22+$0x8C80] =	vst v10;
	v6 =	vmul.f32 v13, v6;
	v13 =	vld [tilespmem:s22+$0x500]  }
0x48: {  	v10 =	vld.idx.msk [tilespmem:v11+s9+$0x0], $0xffff  }
0x49: {  	[tilespmem:s21+$0x8C80] =	vst v4;
	v4 =	vadd.f32 v6, v9;
	v6 =	vld [tilespmem:s23+$0x4500]  }
0x4a: {  	v11 =	vld [tilespmem:s24+$0x580]  }
0x4b: {  	v9 =	vld.idx.msk [tilespmem:v15+s9+$0x0], $0xffff;
	[tilespmem:s24+$0x8D00] =	vst v4  }
0x4c: {  	v4 =	vld.idx.msk [tilespmem:v12+s9+$0x0], $0xffff;
	v7 =	vmul.f32 v7, v8  }
0x4d: {  	v8 =	vadd.s32 $0x180, v3;
	v12 =	vld [tilespmem:s21+$0x4500]  }
0x4e: {  	v6 =	vadd.f32 v7, v6;
	v7 =	vld [tilespmem:s24+$0x4580]  }
0x4f: {  	v16 =	vld [tilespmem:s21+$0x580]  }
0x50: {  	v14 =	vld [tilespmem:s22+$0x4500];
	v5 =	vmul.f32 v5, v9;
	[tilespmem:s23+$0x8D00] =	vst v6;
	v6 =	vadd.s32 $0x180, v2  }
0x51: {  	p0 =	por $0x0, $0x0;
	s0 =	simm.s32 $0x1;
	v9 =	vld [tilespmem:s23+$0x580];
	v4 =	vmul.f32 v11, v4;
	v11 =	vadd.s32 $0x200, v1  }
0x52: {  	s0 =	simm.s32 @!p0 $0x0;
	v8 =	vld.idx.msk [tilespmem:v8+s9+$0x0], $0xffff;
	v5 =	vadd.f32 v5, v12  }
0x53: {  	s0 =	sshll.u32 s0, $0x6;
	v10 =	vmul.f32 v13, v10;
	v13 =	vld [tilespmem:s22+$0x580];
	v12 =	vadd.s32 $0x180, v0;
	v4 =	vadd.f32 v4, v7  }
0x54: {  	s0 =	sadd.s32 $0x0, s0;
	v7 =	vld [tilespmem:s23+$0x4580];
	[tilespmem:s21+$0x8D00] =	vst v5  }
0x55: {  	s13 =	sadd.s32 $0x30, s0;
	v5 =	vadd.f32 v10, v14;
	v14 =	vld.idx.msk [tilespmem:v6+s9+$0x0], $0xffff;
	[tilespmem:s24+$0x8D80] =	vst v4  }
0x56: {  	s8 =	sor.u32 $0x200, s13;
	v17 =	vld.idx.msk [tilespmem:v11+s9+$0x0], $0xffff  }
0x57: {  	v18 =	vadd.s32 $0x200, v3;
	[tilespmem:s22+$0x8D00] =	vst v5;
	v5 =	vld [tilespmem:s8+$0x400];
	v4 =	vmul.f32 v9, v8  }
0x58: {  	v19 =	vld.idx.msk [tilespmem:v12+s9+$0x0], $0xffff  }
0x59: {  	s26 =	sor.u32 s2, s25;
	v20 =	vld [tilespmem:s8+$0x4400];
	v21 =	vadd.f32 v4, v7  }
0x5a: {  	s26 =	sor.u32 $0x380, s26;
	v22 =	vld [tilespmem:s21+$0x4580];
	v10 =	vadd.s32 $0x280, v2;
	v6 =	vadd.s32 $0x380, v2  }
0x5b: {  	s28 =	sadd.s32 $0x10, s0;
	s29 =	sadd.s32 $0x20, s0;
	s5 =	sor.u32 $0x200, s0;
	v15 =	vld [tilespmem:s22+$0x4580];
	v11 =	vadd.s32 $0x280, v3;
	v12 =	vadd.s32 $0x200, v2;
	v9 =	vadd.s32 $0x300, v3;
	[tilespmem:s23+$0x8D80] =	vst v21  }
0x5c: {  	s3 =	sor.u32 $0x280, s0;
	s7 =	sor.u32 $0x200, s28;
	s18 =	sor.u32 $0x280, s29;
	v23 =	vmul.f32 v16, v14;
	v14 =	vld.idx.msk [tilespmem:v18+s9+$0x0], $0xffff;
	v21 =	vmul.f32 v5, v17;
	v18 =	vadd.s32 $0x280, v1  }
0x5d: {  	s31 =	sor.u32 $0x380, s28;
	s30 =	sor.u32 $0x380, s29;
	s0 =	sor.u32 $0x300, s0;
	v8 =	vadd.s32 $0x300, v2;
	v7 =	vadd.s32 $0x380, v3;
	v4 =	vadd.s32 $0x400, v3;
	v17 =	vld [tilespmem:s7+$0x400]  }
0x5e: {  	s6 =	sor.u32 $0x200, s29;
	s4 =	sor.u32 $0x280, s28;
	s12 =	sor.u32 $0x300, s28;
	v3 =	vadd.s32 $0x480, v3;
	v19 =	vmul.f32 v13, v19;
	v21 =	vadd.f32 v21, v20  }
0x5f: {  	s1 =	sor.u32 $0x300, s29;
	s28 =	simm.s32 $0x40;
	s29 =	simm.s32 $0x0;
	v5 =	vadd.s32 $0x400, v2;
	v2 =	vadd.s32 $0x480, v2;
	v16 =	vld [tilespmem:s7+$0x4400];
	v20 =	vadd.f32 v23, v22  }
.LBB2_2:
0x60: {  	v13 =	vld [tilespmem:s28+$0x0];
	v15 =	vadd.f32 v19, v15;
	[tilespmem:s8+$0x8C00] =	vst v21  }
0x61: {  	v19 =	vadd.s32 $0x200, v0;
	s8 =	sor.u32 $0x280, s13;
	[tilespmem:s21+$0x8D80] =	vst v20;
	v18 =	vld.idx.msk [tilespmem:v18+s9+$0x0], $0xffff  }
0x62: {  	[tilespmem:s22+$0x8D80] =	vst v15;
	v14 =	vmul.f32 v17, v14;
	v15 =	vld [tilespmem:s8+$0x400]  }
0x63: {  	v12 =	vld.idx.msk [tilespmem:v12+s9+$0x0], $0xffff  }
0x64: {  	v14 =	vadd.f32 v14, v16;
	v16 =	vld [tilespmem:s8+$0x4400]  }
0x65: {  	v17 =	vld [tilespmem:s6+$0x400]  }
0x66: {  	v19 =	vld.idx.msk [tilespmem:v19+s9+$0x0], $0xffff;
	[tilespmem:s7+$0x8C00] =	vst v14  }
0x67: {  	v14 =	vld [tilespmem:s5+$0x400];
	v15 =	vmul.f32 v15, v18;
	v18 =	vadd.s32 $0x300, v1  }
0x68: {  	v20 =	vld [tilespmem:s6+$0x4400]  }
0x69: {  	v21 =	vld [tilespmem:s5+$0x4400];
	v15 =	vadd.f32 v15, v16  }
0x6a: {  	v11 =	vld.idx.msk [tilespmem:v11+s9+$0x0], $0xffff;
	v12 =	vmul.f32 v17, v12  }
0x6b: {  	v16 =	vld [tilespmem:s4+$0x400];
	[tilespmem:s8+$0x8C00] =	vst v15  }
0x6c: {  	s7 =	sor.u32 $0x300, s13;
	v14 =	vmul.f32 v14, v19;
	v15 =	vld.idx.msk [tilespmem:v18+s9+$0x0], $0xffff  }
0x6d: {  	v17 =	vadd.s32 $0x280, v0;
	v12 =	vadd.f32 v12, v20;
	v18 =	vld [tilespmem:s7+$0x400]  }
0x6e: {  	v14 =	vadd.f32 v14, v21;
	v19 =	vld [tilespmem:s4+$0x4400]  }
0x6f: {  	[tilespmem:s6+$0x8C00] =	vst v12;
	v12 =	vld [tilespmem:s7+$0x4400]  }
0x70: {  	[tilespmem:s5+$0x8C00] =	vst v14;
	v11 =	vmul.f32 v16, v11;
	v10 =	vld.idx.msk [tilespmem:v10+s9+$0x0], $0xffff  }
0x71: {  	v14 =	vld [tilespmem:s18+$0x400]  }
0x72: {  	v16 =	vld.idx.msk [tilespmem:v17+s9+$0x0], $0xffff;
	v15 =	vmul.f32 v18, v15;
	v17 =	vadd.s32 $0x380, v1  }
0x73: {  	v18 =	vld [tilespmem:s3+$0x400];
	v11 =	vadd.f32 v11, v19  }
0x74: {  	v19 =	vld [tilespmem:s18+$0x4400];
	v12 =	vadd.f32 v15, v12  }
0x75: {  	v15 =	vld [tilespmem:s3+$0x4400];
	[tilespmem:s4+$0x8C00] =	vst v11  }
0x76: {  	v9 =	vld.idx.msk [tilespmem:v9+s9+$0x0], $0xffff;
	v10 =	vmul.f32 v14, v10;
	[tilespmem:s7+$0x8C00] =	vst v12  }
0x77: {  	s4 =	sor.u32 $0x380, s13;
	v11 =	vld.idx.msk [tilespmem:v17+s9+$0x0], $0xffff  }
0x78: {  	v12 =	vmul.f32 v18, v16;
	v14 =	vld [tilespmem:s4+$0x400]  }
0x79: {  	v16 =	vadd.s32 $0x300, v0;
	v17 =	vld [tilespmem:s12+$0x400];
	v10 =	vadd.f32 v10, v19  }
0x7a: {  	v12 =	vadd.f32 v12, v15;
	v15 =	vld [tilespmem:s4+$0x4400]  }
0x7b: {  	v18 =	vld [tilespmem:s12+$0x4400];
	[tilespmem:s18+$0x8C00] =	vst v10  }
0x7c: {  	[tilespmem:s3+$0x8C00] =	vst v12;
	v8 =	vld.idx.msk [tilespmem:v8+s9+$0x0], $0xffff  }
0x7d: {  	v12 =	vadd.s32 $0x400, v1;
	v10 =	vld [tilespmem:s1+$0x400];
	v11 =	vmul.f32 v14, v11  }
0x7e: {  	v14 =	vld.idx.msk [tilespmem:v16+s9+$0x0], $0xffff;
	v9 =	vmul.f32 v17, v9  }
0x7f: {  	v16 =	vld [tilespmem:s0+$0x400];
	v11 =	vadd.f32 v11, v15  }
0x80: {  	v9 =	vadd.f32 v9, v18;
	v15 =	vld [tilespmem:s1+$0x4400]  }
0x81: {  	v17 =	vld [tilespmem:s0+$0x4400];
	[tilespmem:s4+$0x8C00] =	vst v11  }
0x82: {  	[tilespmem:s12+$0x8C00] =	vst v9;
	v8 =	vmul.f32 v10, v8;
	v9 =	vld.idx.msk [tilespmem:v12+s9+$0x0], $0xffff  }
0x83: {  	v10 =	vld [tilespmem:s24+$0x2400]  }
0x84: {  	v11 =	vmul.f32 v16, v14;
	v7 =	vld.idx.msk [tilespmem:v7+s9+$0x0], $0xffff  }
0x85: {  	v12 =	vadd.s32 $0x380, v0;
	v8 =	vadd.f32 v8, v15;
	v14 =	vld [tilespmem:s24+$0x6400]  }
0x86: {  	v11 =	vadd.f32 v11, v17;
	v15 =	vld [tilespmem:s31+$0x400]  }
0x87: {  	v16 =	vld [tilespmem:s31+$0x4400];
	[tilespmem:s1+$0x8C00] =	vst v8  }
0x88: {  	v1 =	vadd.s32 $0x480, v1;
	[tilespmem:s0+$0x8C00] =	vst v11;
	v6 =	vld.idx.msk [tilespmem:v6+s9+$0x0], $0xffff;
	v8 =	vmul.f32 v10, v9  }
0x89: {  	v9 =	vld [tilespmem:s30+$0x400]  }
0x8a: {  	v10 =	vld.idx.msk [tilespmem:v12+s9+$0x0], $0xffff;
	v8 =	vadd.f32 v8, v14  }
0x8b: {  	v11 =	vld [tilespmem:s26+$0x400];
	v7 =	vmul.f32 v15, v7  }
0x8c: {  	v12 =	vld [tilespmem:s30+$0x4400];
	[tilespmem:s24+$0xAC00] =	vst v8  }
0x8d: {  	v7 =	vadd.f32 v7, v16;
	v1 =	vld.idx.msk [tilespmem:v1+s9+$0x0], $0xffff  }
0x8e: {  	v6 =	vmul.f32 v9, v6;
	v8 =	vld [tilespmem:s24+$0x2480]  }
0x8f: {  	v9 =	vld [tilespmem:s26+$0x4400];
	[tilespmem:s31+$0x8C00] =	vst v7  }
0x90: {  	v7 =	vmul.f32 v11, v10;
	v10 =	vld [tilespmem:s24+$0x6480]  }
0x91: {  	v4 =	vld.idx.msk [tilespmem:v4+s9+$0x0], $0xffff;
	v6 =	vadd.f32 v6, v12  }
0x92: {  	v11 =	vadd.s32 $0x400, v0;
	v12 =	vld [tilespmem:s23+$0x2400]  }
0x93: {  	v14 =	vld [tilespmem:s23+$0x6400];
	[tilespmem:s30+$0x8C00] =	vst v6;
	v1 =	vmul.f32 v8, v1  }
0x94: {  	v6 =	vadd.f32 v7, v9;
	v5 =	vld.idx.msk [tilespmem:v5+s9+$0x0], $0xffff  }
0x95: {  	v7 =	vld [tilespmem:s21+$0x2400];
	v1 =	vadd.f32 v1, v10  }
0x96: {  	[tilespmem:s26+$0x8C00] =	vst v6;
	v6 =	vld [tilespmem:s21+$0x6400]  }
0x97: {  	v8 =	vld.idx.msk [tilespmem:v11+s9+$0x0], $0xffff;
	v4 =	vmul.f32 v12, v4;
	[tilespmem:s24+$0xAC80] =	vst v1  }
0x98: {  	v1 =	vld [tilespmem:s22+$0x2400]  }
0x99: {  	v9 =	vld [tilespmem:s22+$0x6400];
	v4 =	vadd.f32 v4, v14  }
0x9a: {  	v10 =	vld [tilespmem:s23+$0x2480];
	v5 =	vmul.f32 v7, v5  }
0x9b: {  	s25 =	sadd.s32 $0x40, s25;
	[tilespmem:s23+$0xAC00] =	vst v4;
	v16 =	vld [tilespmem:s21+$0x2480]  }
0x9c: {  	p1 =	slt.u32 s25, $0x3C0;
	s0 =	sand.u32 $0x40, s25;
	v3 =	vld.idx.msk [tilespmem:v3+s9+$0x0], $0xffff;
	v4 =	vadd.f32 v5, v6  }
0x9d: {  	s3 =	sand.u32 $0x380, s25;
	s1 =	sor.u32 $0x10, s0;
	s4 =	sor.u32 $0x30, s0;
	v5 =	vmul.f32 v1, v8;
	v17 =	vld [tilespmem:s22+$0x2480]  }
0x9e: {  	s6 =	sor.u32 $0x20, s0;
	s5 =	sor.u32 s1, s3;
	s7 =	sor.u32 s4, s3;
	v6 =	vadd.s32 $0x480, v0;
	v0 =	vmov v13;
	v7 =	vld [tilespmem:s23+$0x6480];
	[tilespmem:s21+$0xAC00] =	vst v4  }
0x9f: {  	s3 =	sor.u32 s6, s3;
	v1 =	vld [tilespmem:s7+$0x0];
	v4 =	vadd.f32 v5, v9  }
0xa0: {  	v5 =	vld [tilespmem:s5+$0x0]  }
0xa1: {  	v18 =	vld [tilespmem:s3+$0x0];
	[tilespmem:s22+$0xAC00] =	vst v4  }
0xa2: {  	v3 =	vmul.f32 v10, v3;
	v19 =	vld.idx.msk [tilespmem:v2+s9+$0x0], $0xffff  }
0xa3: {  	v20 =	vld.idx.msk [tilespmem:v6+s9+$0x0], $0xffff  }
0xa4: {  	v2 =	vadd.f32 v3, v7;
	v21 =	vld [tilespmem:s21+$0x6480]  }
0xa5: {  	s29 =	sadd.s32 $0x200, s29;
	v22 =	vadd.s32 $0x80, v5;
	v23 =	vadd.s32 $0x100, v5;
	v15 =	vadd.s32 $0x180, v5;
	v24 =	vld [tilespmem:s22+$0x6480]  }
0xa6: {  	s5 =	sor.u32 s29, s25;
	s3 =	sand.u32 $0x1C00, s29;
	v25 =	vld.idx.msk [tilespmem:v13+s9+$0x0], $0xffff;
	v26 =	vadd.s32 $0x80, v18;
	v27 =	vadd.s32 $0x100, v18;
	v14 =	vadd.s32 $0x180, v18;
	[tilespmem:s23+$0xAC80] =	vst v2  }
0xa7: {  	s24 =	sor.u32 s4, s3;
	v11 =	vadd.s32 $0x280, v5;
	s23 =	sor.u32 s1, s3;
	v13 =	vadd.s32 $0x200, v5;
	s1 =	sor.u32 s6, s3;
	v12 =	vadd.s32 $0x200, v18;
	v28 =	vld.idx.msk [tilespmem:v1+s9+$0x0], $0xffff  }
0xa8: {  	s26 =	sor.u32 $0x380, s5;
	s0 =	sor.u32 s0, s3;
	v9 =	vadd.s32 $0x300, v5;
	v10 =	vadd.s32 $0x280, v18;
	v8 =	vadd.s32 $0x300, v18;
	v29 =	vld [tilespmem:s24+$0x400]  }
0xa9: {  	v7 =	vadd.s32 $0x380, v5;
	v4 =	vadd.s32 $0x400, v5;
	v6 =	vadd.s32 $0x380, v18;
	v30 =	vld.idx.msk [tilespmem:v5+s9+$0x0], $0xffff  }
0xaa: {  	v3 =	vadd.s32 $0x480, v5;
	v2 =	vadd.s32 $0x480, v18;
	v5 =	vadd.s32 $0x400, v18;
	v31 =	vld [tilespmem:s24+$0x4400]  }
0xab: {  	v16 =	vmul.f32 v16, v19;
	v17 =	vmul.f32 v17, v20;
	v18 =	vld.idx.msk [tilespmem:v18+s9+$0x0], $0xffff  }
0xac: {  	v19 =	vld [tilespmem:s23+$0x400]  }
0xad: {  	v16 =	vadd.f32 v16, v21;
	v20 =	vld [tilespmem:s1+$0x400];
	v28 =	vmul.f32 v29, v28;
	v29 =	vadd.s32 $0x80, v1  }
0xae: {  	v17 =	vadd.f32 v17, v24;
	v21 =	vld [tilespmem:s0+$0x400]  }
0xaf: {  	v24 =	vld [tilespmem:s23+$0x4400];
	v28 =	vadd.f32 v28, v31;
	[tilespmem:s21+$0xAC80] =	vst v16;
	s21 =	smov.u32 s1  }
0xb0: {  	v16 =	vld [tilespmem:s21+$0x4400];
	[tilespmem:s22+$0xAC80] =	vst v17;
	s22 =	smov.u32 s0  }
0xb1: {  	v17 =	vld [tilespmem:s22+$0x4400];
	v19 =	vmul.f32 v19, v30;
	[tilespmem:s24+$0x8C00] =	vst v28  }
0xb2: {  	v18 =	vmul.f32 v20, v18;
	v20 =	vld.idx.msk [tilespmem:v29+s9+$0x0], $0xffff  }
0xb3: {  	v21 =	vmul.f32 v21, v25;
	v25 =	vld [tilespmem:s24+$0x480]  }
0xb4: {  	v28 =	vadd.s32 $0x80, v0;
	v19 =	vadd.f32 v19, v24;
	v24 =	vld [tilespmem:s23+$0x480]  }
0xb5: {  	v16 =	vadd.f32 v18, v16;
	v18 =	vld [tilespmem:s24+$0x4480]  }
0xb6: {  	v17 =	vadd.f32 v21, v17;
	[tilespmem:s23+$0x8C00] =	vst v19;
	v19 =	vld [tilespmem:s21+$0x480]  }
0xb7: {  	v21 =	vld.idx.msk [tilespmem:v22+s9+$0x0], $0xffff;
	[tilespmem:s21+$0x8C00] =	vst v16  }
0xb8: {  	[tilespmem:s22+$0x8C00] =	vst v17;
	v16 =	vld.idx.msk [tilespmem:v26+s9+$0x0], $0xffff;
	v17 =	vmul.f32 v25, v20;
	v20 =	vadd.s32 $0x100, v1  }
0xb9: {  	v22 =	vld.idx.msk [tilespmem:v28+s9+$0x0], $0xffff  }
0xba: {  	v25 =	vld [tilespmem:s22+$0x480];
	v17 =	vadd.f32 v17, v18  }
0xbb: {  	v18 =	vld [tilespmem:s23+$0x4480]  }
0xbc: {  	v26 =	vld [tilespmem:s21+$0x4480];
	[tilespmem:s24+$0x8C80] =	vst v17  }
0xbd: {  	v17 =	vmul.f32 v24, v21;
	v20 =	vld.idx.msk [tilespmem:v20+s9+$0x0], $0xffff  }
0xbe: {  	v16 =	vmul.f32 v19, v16;
	v19 =	vld [tilespmem:s24+$0x500]  }
0xbf: {  	v21 =	vld [tilespmem:s22+$0x4480];
	v22 =	vmul.f32 v25, v22  }
0xc0: {  	v17 =	vadd.f32 v17, v18;
	v18 =	vld [tilespmem:s24+$0x4500]  }
0xc1: {  	v24 =	vld [tilespmem:s23+$0x500];
	v16 =	vadd.f32 v16, v26  }
0xc2: {  	v25 =	vadd.s32 $0x100, v0;
	[tilespmem:s23+$0x8C80] =	vst v17;
	v17 =	vld [tilespmem:s21+$0x500]  }
0xc3: {  	v23 =	vld.idx.msk [tilespmem:v23+s9+$0x0], $0xffff;
	[tilespmem:s21+$0x8C80] =	vst v16;
	v16 =	vmul.f32 v19, v20;
	v19 =	vadd.s32 $0x180, v1  }
0xc4: {  	v20 =	vadd.f32 v22, v21;
	v21 =	vld.idx.msk [tilespmem:v27+s9+$0x0], $0xffff  }
0xc5: {  	v22 =	vld [tilespmem:s22+$0x500];
	v16 =	vadd.f32 v16, v18  }
0xc6: {  	[tilespmem:s22+$0x8C80] =	vst v20;
	v18 =	vld [tilespmem:s23+$0x4500]  }
0xc7: {  	v20 =	vld.idx.msk [tilespmem:v25+s9+$0x0], $0xffff;
	[tilespmem:s24+$0x8D00] =	vst v16  }
0xc8: {  	v16 =	vld.idx.msk [tilespmem:v19+s9+$0x0], $0xffff  }
0xc9: {  	v19 =	vmul.f32 v24, v23;
	v23 =	vld [tilespmem:s24+$0x580]  }
0xca: {  	v17 =	vmul.f32 v17, v21;
	v24 =	vld [tilespmem:s21+$0x4500]  }
0xcb: {  	v18 =	vadd.f32 v19, v18;
	v19 =	vld [tilespmem:s24+$0x4580]  }
0xcc: {  	v21 =	vld [tilespmem:s22+$0x4500]  }
0xcd: {  	v20 =	vmul.f32 v22, v20;
	[tilespmem:s23+$0x8D00] =	vst v18;
	v18 =	vld [tilespmem:s23+$0x580]  }
0xce: {  	p0 =	por !p0, !p0;
	s0 =	simm.s32 $0x1;
	v22 =	vadd.s32 $0x200, v1;
	v15 =	vld.idx.msk [tilespmem:v15+s9+$0x0], $0xffff;
	v16 =	vmul.f32 v23, v16  }
0xcf: {  	s0 =	simm.s32 @!p0 $0x0;
	v17 =	vadd.f32 v17, v24;
	v23 =	vld [tilespmem:s21+$0x580]  }
0xd0: {  	s0 =	sshll.u32 s0, $0x6;
	v24 =	vadd.s32 $0x180, v0;
	v25 =	vld [tilespmem:s22+$0x580];
	v16 =	vadd.f32 v16, v19  }
0xd1: {  	s0 =	sadd.s32 s0, s29;
	v19 =	vadd.f32 v20, v21;
	v20 =	vld [tilespmem:s23+$0x4580];
	[tilespmem:s21+$0x8D00] =	vst v17  }
0xd2: {  	s30 =	sadd.s32 $0x10, s0;
	s10 =	sadd.s32 $0x20, s0;
	s13 =	sadd.s32 $0x30, s0;
	v14 =	vld.idx.msk [tilespmem:v14+s9+$0x0], $0xffff;
	[tilespmem:s24+$0x8D80] =	vst v16  }
0xd3: {  	s7 =	sor.u32 $0x200, s30;
	s6 =	sor.u32 $0x200, s10;
	s8 =	sor.u32 $0x200, s13;
	[tilespmem:s22+$0x8D00] =	vst v19;
	v16 =	vld.idx.msk [tilespmem:v22+s9+$0x0], $0xffff  }
0xd4: {  	s5 =	sor.u32 $0x200, s0;
	s4 =	sor.u32 $0x280, s30;
	s18 =	sor.u32 $0x280, s10;
	v15 =	vmul.f32 v18, v15;
	v17 =	vld [tilespmem:s8+$0x400]  }
0xd5: {  	s3 =	sor.u32 $0x280, s0;
	s12 =	sor.u32 $0x300, s30;
	s1 =	sor.u32 $0x300, s10;
	v19 =	vld.idx.msk [tilespmem:v24+s9+$0x0], $0xffff  }
0xd6: {  	s0 =	sor.u32 $0x300, s0;
	s31 =	sor.u32 $0x380, s30;
	s30 =	sor.u32 $0x380, s10;
	v18 =	vadd.f32 v15, v20;
	v20 =	vld [tilespmem:s8+$0x4400]  }
0xd7: {  	v22 =	vld [tilespmem:s21+$0x4580]  }
.Ltmp0:
0xd8: {  	v23 =	vmul.f32 v23, v14;
	v15 =	vld [tilespmem:s22+$0x4580];
	[tilespmem:s23+$0x8D80] =	vst v18;
	(pc) =	sbr.rel @p1 .LBB2_2-.Ltmp0, $4  }
0xd9: {  	v18 =	vadd.s32 $0x280, v1;
	v14 =	vld.idx.msk [tilespmem:v13+s9+$0x0], $0xffff;
	v13 =	vmul.f32 v17, v16  }
0xda: {  	v17 =	vld [tilespmem:s7+$0x400]  }
0xdb: {  	v19 =	vmul.f32 v25, v19;
	v16 =	vld [tilespmem:s7+$0x4400];
	v21 =	vadd.f32 v13, v20  }
0xdc: {  	s28 =	sadd.s32 $0x40, s28;
	v20 =	vadd.f32 v23, v22  }
0xdd: {  	_ =	sdelay $0x2  }
0xde: {  	[tilespmem:s8+$0x8C00] =	vst v21  }
0xdf: {  	s25 =	sor.u32 $0x280, s13;
	v18 =	vld.idx.msk [tilespmem:v18+s9+$0x0], $0xffff  }
0xe0: {  	v48 =	vld [tilespmem:s25+$0x400]  }
0xe1: {  	[tilespmem:s21+$0x8D80] =	vst v20;
	v49 =	vld [tilespmem:s25+$0x4400]  }
0xe2: {  	v13 =	vadd.s32 $0x200, v0;
	v15 =	vadd.f32 v19, v15;
	v12 =	vld.idx.msk [tilespmem:v12+s9+$0x0], $0xffff  }
0xe3: {  	v14 =	vmul.f32 v17, v14;
	v50 =	vld [tilespmem:s6+$0x400]  }
0xe4: {  	[tilespmem:s22+$0x8D80] =	vst v15;
	v54 =	vld [tilespmem:s6+$0x4400]  }
0xe5: {  	v51 =	vld [tilespmem:s5+$0x400];
	v14 =	vadd.f32 v14, v16  }
0xe6: {  	v53 =	vadd.s32 $0x300, v1;
	v55 =	vld [tilespmem:s5+$0x4400];
	v52 =	vmul.f32 v48, v18  }
0xe7: {  	v13 =	vld.idx.msk [tilespmem:v13+s9+$0x0], $0xffff;
	[tilespmem:s7+$0x8C00] =	vst v14  }
0xe8: {  	v11 =	vld.idx.msk [tilespmem:v11+s9+$0x0], $0xffff;
	v17 =	vadd.f32 v52, v49  }
0xe9: {  	v12 =	vmul.f32 v50, v12;
	v56 =	vld [tilespmem:s4+$0x400]  }
0xea: {  	v59 =	vld [tilespmem:s4+$0x4400];
	[tilespmem:s25+$0x8C00] =	vst v17  }
0xeb: {  	s28 =	sor.u32 $0x300, s13;
	v12 =	vadd.f32 v12, v54;
	v17 =	vld.idx.msk [tilespmem:v53+s9+$0x0], $0xffff  }
0xec: {  	v57 =	vadd.s32 $0x280, v0;
	v13 =	vmul.f32 v51, v13;
	v58 =	vld [tilespmem:s28+$0x400]  }
0xed: {  	[tilespmem:s6+$0x8C00] =	vst v12;
	v60 =	vld [tilespmem:s28+$0x4400]  }
0xee: {  	v13 =	vadd.f32 v13, v55;
	v10 =	vld.idx.msk [tilespmem:v10+s9+$0x0], $0xffff  }
0xef: {  	v11 =	vmul.f32 v56, v11;
	v61 =	vld [tilespmem:s18+$0x400]  }
0xf0: {  	v23 =	vld [tilespmem:s18+$0x4400];
	[tilespmem:s5+$0x8C00] =	vst v13  }
0xf1: {  	v11 =	vadd.f32 v11, v59;
	v62 =	vld.idx.msk [tilespmem:v57+s9+$0x0], $0xffff  }
0xf2: {  	v21 =	vadd.s32 $0x380, v1;
	v22 =	vld [tilespmem:s3+$0x400];
	v63 =	vmul.f32 v58, v17  }
0xf3: {  	v24 =	vld [tilespmem:s3+$0x4400];
	[tilespmem:s4+$0x8C00] =	vst v11  }
0xf4: {  	v9 =	vld.idx.msk [tilespmem:v9+s9+$0x0], $0xffff;
	v12 =	vadd.f32 v63, v60  }
0xf5: {  	v10 =	vmul.f32 v61, v10;
	v28 =	vld [tilespmem:s12+$0x400]  }
0xf6: {  	v30 =	vld [tilespmem:s12+$0x4400];
	[tilespmem:s28+$0x8C00] =	vst v12  }
0xf7: {  	s29 =	sor.u32 $0x380, s13;
	v10 =	vadd.f32 v10, v23;
	v25 =	vld.idx.msk [tilespmem:v21+s9+$0x0], $0xffff  }
0xf8: {  	v27 =	vadd.s32 $0x300, v0;
	v26 =	vmul.f32 v22, v62;
	v12 =	vld [tilespmem:s29+$0x400]  }
0xf9: {  	v29 =	vld [tilespmem:s29+$0x4400];
	[tilespmem:s18+$0x8C00] =	vst v10  }
0xfa: {  	v13 =	vadd.f32 v26, v24;
	v8 =	vld.idx.msk [tilespmem:v8+s9+$0x0], $0xffff  }
0xfb: {  	v10 =	vld [tilespmem:s1+$0x400];
	v9 =	vmul.f32 v28, v9  }
0xfc: {  	v33 =	vld [tilespmem:s1+$0x4400];
	[tilespmem:s3+$0x8C00] =	vst v13  }
0xfd: {  	v9 =	vadd.f32 v9, v30;
	v13 =	vld.idx.msk [tilespmem:v27+s9+$0x0], $0xffff  }
0xfe: {  	v31 =	vadd.s32 $0x400, v1;
	v32 =	vld [tilespmem:s0+$0x400];
	v11 =	vmul.f32 v12, v25  }
0xff: {  	v34 =	vld [tilespmem:s0+$0x4400];
	[tilespmem:s12+$0x8C00] =	vst v9  }
0x100: {  	v8 =	vmul.f32 v10, v8;
	v7 =	vld.idx.msk [tilespmem:v7+s9+$0x0], $0xffff;
	v11 =	vadd.f32 v11, v29  }
0x101: {  	v39 =	vld [tilespmem:s31+$0x400]  }
0x102: {  	v40 =	vld [tilespmem:s31+$0x4400];
	v8 =	vadd.f32 v8, v33;
	[tilespmem:s29+$0x8C00] =	vst v11  }
0x103: {  	v37 =	vadd.s32 $0x380, v0;
	v36 =	vmul.f32 v32, v13;
	v11 =	vld.idx.msk [tilespmem:v31+s9+$0x0], $0xffff  }
0x104: {  	v35 =	vld [tilespmem:s24+$0x2400];
	[tilespmem:s1+$0x8C00] =	vst v8  }
0x105: {  	v10 =	vadd.f32 v36, v34;
	v6 =	vld.idx.msk [tilespmem:v6+s9+$0x0], $0xffff  }
0x106: {  	v8 =	vld [tilespmem:s30+$0x400]  }
0x107: {  	v43 =	vld [tilespmem:s30+$0x4400];
	[tilespmem:s0+$0x8C00] =	vst v10  }
0x108: {  	v10 =	vld.idx.msk [tilespmem:v37+s9+$0x0], $0xffff  }
0x109: {  	v7 =	vmul.f32 v39, v7;
	v42 =	vld [tilespmem:s26+$0x400]  }
0x10a: {  	v38 =	vld [tilespmem:s24+$0x6400]  }
0x10b: {  	v7 =	vadd.f32 v7, v40;
	v44 =	vld [tilespmem:s26+$0x4400]  }
0x10c: {  	v45 =	vld [tilespmem:s24+$0x2480];
	v6 =	vmul.f32 v8, v6  }
0x10d: {  	v55 =	vld [tilespmem:s24+$0x6480];
	[tilespmem:s31+$0x8C00] =	vst v7  }
0x10e: {  	v47 =	vadd.s32 $0x400, v0;
	v4 =	vld.idx.msk [tilespmem:v4+s9+$0x0], $0xffff;
	v6 =	vadd.f32 v6, v43;
	v46 =	vmul.f32 v42, v10  }
0x10f: {  	v48 =	vld [tilespmem:s23+$0x2400]  }
0x110: {  	v49 =	vld [tilespmem:s23+$0x6400];
	[tilespmem:s30+$0x8C00] =	vst v6;
	v50 =	vadd.f32 v46, v44  }
0x111: {  	v5 =	vld.idx.msk [tilespmem:v5+s9+$0x0], $0xffff  }
0x112: {  	v51 =	vld [tilespmem:s21+$0x2400];
	[tilespmem:s26+$0x8C00] =	vst v50  }
0x113: {  	v6 =	vld.idx.msk [tilespmem:v47+s9+$0x0], $0xffff  }
0x114: {  	v41 =	vadd.s32 $0x480, v1;
	v9 =	vmul.f32 v35, v11;
	v52 =	vld [tilespmem:s22+$0x2400]  }
0x115: {  	v53 =	vld [tilespmem:s21+$0x6400]  }
0x116: {  	v9 =	vadd.f32 v9, v38;
	v54 =	vld [tilespmem:s22+$0x6400]  }
0x117: {  	v56 =	vld [tilespmem:s23+$0x2480];
	v4 =	vmul.f32 v48, v4  }
0x118: {  	v60 =	vld [tilespmem:s23+$0x6480];
	[tilespmem:s24+$0xAC00] =	vst v9;
	v5 =	vmul.f32 v51, v5  }
0x119: {  	v58 =	vadd.s32 $0x480, v0;
	v1 =	vld.idx.msk [tilespmem:v41+s9+$0x0], $0xffff;
	v4 =	vadd.f32 v4, v49;
	v6 =	vmul.f32 v52, v6  }
0x11a: {  	v57 =	vld [tilespmem:s21+$0x2480];
	v5 =	vadd.f32 v5, v53  }
0x11b: {  	v59 =	vld [tilespmem:s22+$0x2480];
	[tilespmem:s23+$0xAC00] =	vst v4;
	v6 =	vadd.f32 v6, v54  }
0x11c: {  	v3 =	vld.idx.msk [tilespmem:v3+s9+$0x0], $0xffff;
	[tilespmem:s21+$0xAC00] =	vst v5  }
0x11d: {  	v2 =	vld.idx.msk [tilespmem:v2+s9+$0x0], $0xffff;
	[tilespmem:s22+$0xAC00] =	vst v6  }
0x11e: {  	v0 =	vld.idx.msk [tilespmem:v58+s9+$0x0], $0xffff  }
0x11f: {  	v61 =	vld [tilespmem:s21+$0x6480]  }
0x120: {  	v62 =	vld [tilespmem:s22+$0x6480];
	v1 =	vmul.f32 v45, v1  }
0x121: {  	v3 =	vmul.f32 v56, v3  }
0x122: {  	v1 =	vadd.f32 v1, v55;
	v2 =	vmul.f32 v57, v2  }
0x123: {  	v3 =	vadd.f32 v3, v60;
	v0 =	vmul.f32 v59, v0  }
0x124: {  	[tilespmem:s24+$0xAC80] =	vst v1;
	v63 =	vadd.f32 v2, v61  }
0x125: {  	[tilespmem:s23+$0xAC80] =	vst v3;
	v0 =	vadd.f32 v0, v62  }
0x126: {  	[tilespmem:s21+$0xAC80] =	vst v63  }
0x127: {  	[tilespmem:s22+$0xAC80] =	vst v0  }
0x128: {  	s1 =	simm.s32 $0x2000;
	s30 =	simm.s32 $0x8C00;
	s0 =	rddreg [dreg:$0x8]  }
0x129: {  	[hbm4b:s0+s1] =	stream.strided.scatter [tilespmem:s30], [sflag:$0x5], $0x4000, s11, s1, $0x38;
	[tilespmem:$0xCC00] =	vst v63  }
0x12a: {  	_ =	swait.ge [sflag:s19], $0x4000  }
0x12b: {  	s20 =	sadd.s32 $0x1, s20;
	s31 =	rddreg [dreg:$0x9]  }
0x12c: {  	p0 =	sne.s32 s20, s31  }
.Ltmp1:
0x12d: {  	_ = 	snop;
	(pc) =	sbr.rel @p0 .LBB2_1-.Ltmp1, $3  }
0x12e: {  	_ =	sdelay $0x1  }
0x12f: {  	[sflag:s19] =	ssyncset.done $0x0  }
0x130: {  	[sflag:s19] =	ssyncadd.s32 $0xFFFFC000  }
0x131: {  	_ =	sfence.sel $0x180000  }
0x132: {  	[bflag:$0x0] =	sbarrier.arrive $0xFFFF  }
0x133: {  	_ =	strace $0x90000047  }
0x134: {  	s0 =	stileid.u32;
	[bflag:$0x2] =	sbarrier.arrive $0xFFFF  }
0x135: {  	p0 =	sne.s32 s0, $0x0;
	s0 =	rddreg [dreg:$0x3]  }
0x136: {  	s0 =	sadd.s32 @!p0 $0x100000, s0  }
0x137: {  	[sflag:s0] =	ssyncadd.tile.s32 @!p0 $0x1;
	_ =	shalt  }
.Lfunc_end2:
_tile_overlayer_lowered:
.L_overlay_start_2:
0x138: {  	(tag) =	ssettag $0x2  }
0x139: {  	s0 =	rddreg [dreg:$0x0];
	s2 =	stileid.u32  }
0x13a: {  	s1 =	rddreg [dreg:$0x1];
	p0 =	sne.s32 s2, $0x0  }
0x13b: {  	s3 =	rddreg [dreg:$0x2];
	[bflag:$0x3] =	sbarrier.arrive $0xFFFF;
	s2 =	simm.s32 @!p0 $0x1C05  }
0x13c: {  	[timem:s3], [sflag:s2] =	dma.local @!p0 [hbm:s0], s1  }
0x13d: {  	s0 =	simm.s32 @!p0 $0x5  }
0x13e: {  	_ =	swait.ge @!p0 [sflag:s0], s1  }
0x13f: {  	s1 =	ssub.s32 @!p0 $0x0, s1;
	[sflag:s0] =	ssyncset.done @!p0 $0x0  }
0x140: {  	[sflag:s0] =	ssyncadd.s32 @!p0 s1  }
0x141: {  	[bflag:$0x3] =	sbarrier.arrive $0xFFFF  }
0x142: {  	_ =	shalt  }

</sc_bundles>
